<compile_context>
chip_gen: v7x
topology: tpu7x:2x2x1
jax: 0.10.2.dev20260603
libtpu: 0.0.44.dev20260713+nightly
codegen_flags: <defaults>
</compile_context>

<pallas_src>
import functools

import jax
import jax.numpy as jnp
from jax import lax
from jax.experimental import pallas as pl
from jax.experimental.pallas import tpu as pltpu
from jax.experimental.pallas import tpu_sc as plsc

B, S, H = 1, 2048, 1024
I = 2048
E = 8
V = 100000
EI = I // E
T = B * S

BLK = 256
NBLK = 16
P = NBLK * BLK

_NC = 2
_NS = 16
NW = _NC * _NS
RPW = T // NW



def _route_body(tid_ref, dst_ref, be_ref, nv_ref):
    tid = jnp.clip(tid_ref[...], 0, V - 1)
    eid = lax.rem(tid, E)
    lane = lax.broadcasted_iota(jnp.int32, (T, 128), 1)
    oh = jnp.where(lane == eid, 1, 0)
    c = oh
    k = 1
    while k < T:
        c = c + jnp.concatenate(
            [jnp.zeros((k, 128), jnp.int32), c[: T - k]], axis=0)
        k *= 2
    counts = c[T - 1: T, :]
    padded = ((counts + (BLK - 1)) // BLK) * BLK
    s = padded
    for k in (1, 2, 4):
        s = s + jnp.concatenate(
            [jnp.zeros((1, k), jnp.int32), s[:, : 128 - k]], axis=1)
    offs = s - padded
    dst_ref[...] = jnp.sum(oh * (c - 1 + offs), axis=1, keepdims=True)
    bi = lax.broadcasted_iota(jnp.int32, (NBLK, 128), 0)
    lane_b = lax.broadcasted_iota(jnp.int32, (NBLK, 128), 1)
    m = (bi >= offs // BLK) & (bi < s // BLK) & (lane_b < E)
    be_ref[...] = jnp.sum(jnp.where(m, lane_b, 0), axis=1, keepdims=True)
    total = jnp.sum(jnp.where(lane == E - 1, s, 0)[:1], axis=1, keepdims=True)
    nv_ref[...] = total // BLK


def _route(tid2d):
    return pl.pallas_call(
        _route_body,
        in_specs=[pl.BlockSpec((T, 1), lambda: (0, 0))],
        out_specs=(
            pl.BlockSpec((T, 1), lambda: (0, 0)),
            pl.BlockSpec((NBLK, 1), lambda: (0, 0)),
            pl.BlockSpec((1, 1), lambda: (0, 0)),
        ),
        out_shape=(
            jax.ShapeDtypeStruct((T, 1), jnp.int32),
            jax.ShapeDtypeStruct((NBLK, 1), jnp.int32),
            jax.ShapeDtypeStruct((1, 1), jnp.int32),
        ),
    )(tid2d)



@functools.cache
def _sc_mesh():
    return plsc.VectorSubcoreMesh(
        core_axis_name="c", subcore_axis_name="s",
        num_cores=_NC, num_subcores=_NS)


@functools.cache
def _make_scatter_rows():
    @functools.partial(
        pl.kernel,
        out_type=jax.ShapeDtypeStruct((P, H), jnp.float32),
        mesh=_sc_mesh(),
        scratch_types=[
            pltpu.VMEM((RPW,), jnp.int32),
            pltpu.VMEM((RPW, H), jnp.float32),
            pltpu.SemaphoreType.DMA,
        ],
    )
    def _scatter_rows(x_hbm, dst_hbm, xs_hbm, idx_v, rows_v, sem):
        wid = lax.axis_index("s") * _NC + lax.axis_index("c")
        base = wid * RPW
        pltpu.sync_copy(dst_hbm.at[pl.ds(base, RPW)], idx_v)
        pltpu.sync_copy(x_hbm.at[pl.ds(base, RPW)], rows_v)
        pltpu.async_copy(rows_v, xs_hbm.at[idx_v], sem).wait()

    return _scatter_rows



def _mlp_body(be_ref, nv_ref, x_ref, g_ref, u_ref, d_ref, o_ref):
    i = pl.program_id(0)

    @pl.when(i < nv_ref[0])
    def _():
        x = x_ref[...]
        g = jnp.dot(x, g_ref[0], preferred_element_type=jnp.float32)
        u = jnp.dot(x, u_ref[0], preferred_element_type=jnp.float32)
        inter = g * jax.nn.sigmoid(g) * u
        o_ref[...] = jnp.dot(inter, d_ref[0], preferred_element_type=jnp.float32)


def _grouped_mlp(be_flat, nv_flat, xs, gate_proj, up_proj, down_proj):
    grid_spec = pltpu.PrefetchScalarGridSpec(
        num_scalar_prefetch=2,
        grid=(NBLK,),
        in_specs=[
            pl.BlockSpec((BLK, H), lambda i, be, nv: (i, 0)),
            pl.BlockSpec((1, H, EI), lambda i, be, nv: (be[i], 0, 0)),
            pl.BlockSpec((1, H, EI), lambda i, be, nv: (be[i], 0, 0)),
            pl.BlockSpec((1, EI, H), lambda i, be, nv: (be[i], 0, 0)),
        ],
        out_specs=pl.BlockSpec((BLK, H), lambda i, be, nv: (i, 0)),
    )
    return pl.pallas_call(
        _mlp_body,
        grid_spec=grid_spec,
        out_shape=jax.ShapeDtypeStruct((P, H), jnp.float32),
    )(be_flat, nv_flat, xs, gate_proj, up_proj, down_proj)



@functools.cache
def _make_gather_rows():
    @functools.partial(
        pl.kernel,
        out_type=jax.ShapeDtypeStruct((T, H), jnp.float32),
        mesh=_sc_mesh(),
        scratch_types=[
            pltpu.VMEM((RPW,), jnp.int32),
            pltpu.VMEM((RPW, H), jnp.float32),
            pltpu.SemaphoreType.DMA,
        ],
    )
    def _gather_rows(ys_hbm, dst_hbm, out_hbm, idx_v, rows_v, sem):
        wid = lax.axis_index("s") * _NC + lax.axis_index("c")
        base = wid * RPW
        pltpu.sync_copy(dst_hbm.at[pl.ds(base, RPW)], idx_v)
        pltpu.async_copy(ys_hbm.at[idx_v], rows_v, sem).wait()
        pltpu.sync_copy(rows_v, out_hbm.at[pl.ds(base, RPW)])

    return _gather_rows



def kernel(hidden_states, token_ids, mu, gate_proj, up_proj, down_proj, mu_w, token_to_expert):
    x = hidden_states.reshape(T, H)
    tid2d = token_ids.reshape(T, 1)
    dst, be, nv = _route(tid2d)
    dst_flat = dst.reshape(T)
    xs = _make_scatter_rows()(x, dst_flat)
    out = _make_gather_rows()(xs, dst_flat)
    return out.reshape(B, S, H)

# --- scband reference (transcript-rebuilt; emitter-appended) ---
"""Pipeline reference for scband-token-routed-mlpparallel-76209899700388 (READ-ONLY COPY).

The authoritative reference and input builder live on the scoring server;
editing this copy changes nothing except your own understanding.
"""

import jax, jax.numpy as jnp
import numpy as np

B, S, H = 1, 2048, 1024
I = 2048
E = 8
V = 100000
EI = I // E  # expert_intermediate_size = 256


def setup_inputs(seed: int = 0) -> dict:
    key = jax.random.key(seed)
    k1, k2, k3, k4, k5, k6 = jax.random.split(key, 6)
    hidden_states = jax.random.normal(k1, (B, S, H), dtype=jnp.float32)
    token_ids = jax.random.randint(k2, (B, S), 0, V)
    mu = jax.random.normal(k3, (B, S, H), dtype=jnp.float32)
    gate_proj = jax.random.normal(k4, (E, H, EI), dtype=jnp.float32) * 0.02
    up_proj = jax.random.normal(k5, (E, H, EI), dtype=jnp.float32) * 0.02
    down_proj = jax.random.normal(k6, (E, EI, H), dtype=jnp.float32) * 0.02
    mu_w = jnp.zeros((E, H), dtype=jnp.float32)  # nn.init.zeros_ on mu_router.weight
    token_to_expert = jnp.arange(V, dtype=jnp.int32) % E  # registered buffer
    return {
        "hidden_states": hidden_states,
        "token_ids": token_ids,
        "mu": mu,
        "gate_proj": gate_proj,
        "up_proj": up_proj,
        "down_proj": down_proj,
        "mu_w": mu_w,
        "token_to_expert": token_to_expert,
    }


def reference(hidden_states, token_ids, mu, gate_proj, up_proj, down_proj, mu_w, token_to_expert):
    b, s, _ = hidden_states.shape
    # --- routing ---
    tid = jnp.clip(token_ids, 0, V - 1)
    base_expert_ids = token_to_expert[tid]  # gather [B, S]
    mu_logits = mu @ mu_w.T  # Linear(hidden_size, num_experts, bias=False)
    base_one_hot = jax.nn.one_hot(base_expert_ids, E, dtype=jnp.float32)
    combined_logits = base_one_hot * 10.0 + mu_logits
    expert_ids = jnp.argmax(combined_logits, axis=-1)  # [B, S]
    # --- expert MLP ---
    flat_hidden = hidden_states.reshape(-1, H)  # [T, H]
    fe = expert_ids.reshape(-1)  # [T]
    # Mathematically identical to per-token weight gather + bmm:
    # compute against all experts, then gather the selected expert's output per token.
    gate_all = jnp.einsum('td,edh->teh', flat_hidden, gate_proj)  # [T, E, EI]
    up_all = jnp.einsum('td,edh->teh', flat_hidden, up_proj)      # [T, E, EI]
    gate_out = jnp.take_along_axis(gate_all, fe[:, None, None], axis=1)[:, 0, :]
    up_out = jnp.take_along_axis(up_all, fe[:, None, None], axis=1)[:, 0, :]
    intermediate = jax.nn.silu(gate_out) * up_out  # [T, EI]
    down_all = jnp.einsum('th,ehd->ted', intermediate, down_proj)  # [T, E, H]
    output = jnp.take_along_axis(down_all, fe[:, None, None], axis=1)[:, 0, :]
    return output.reshape(b, s, H)

if __name__ == "__main__":
    import jax
    _d = setup_inputs()
    print(jax.jit(kernel)(*tuple(_d.values())))

</pallas_src>

<mosaic_0001>
#map = affine_map<(d0, d1) -> (0, 0)>
#map1 = affine_map<(d0, d1) -> (0)>
module attributes {stable_mosaic.version = 14 : i64} {
  func.func @_gather_rows(%arg0: i32, %arg1: i32, %arg2: memref<4096x1024xf32, #tpu.memory_space<hbm>>, %arg3: memref<2048xi32, #tpu.memory_space<hbm>>, %arg4: memref<2048x1024xf32, #tpu.memory_space<hbm>>, %arg5: memref<64xi32, #tpu.memory_space<vmem>>, %arg6: memref<64x1024xf32, #tpu.memory_space<vmem>>, %arg7: memref<!tpu.dma_semaphore, #tpu.memory_space<semaphore_mem>>) attributes {dimension_semantics = [#tpu.dimension_semantics<core_parallel>, #tpu.dimension_semantics<subcore_parallel>], iteration_bounds = array<i64: 2, 16>, scalar_prefetch = 0 : i64, scratch_operands = 3 : i64, tpu.core_type = #tpu.core_type<sc_vector_subcore>, window_params = [{transform_indices = #map}, {transform_indices = #map1}, {transform_indices = #map}]} {
    %mul3A = arith.constant 2 : i32
    %mul3A_0 = arith.muli %arg1, %mul3A : i32
    %add3A = arith.addi %mul3A_0, %arg0 : i32
    %mul3A_1 = arith.constant 64 : i32
    %mul3A_2 = arith.muli %add3A, %mul3A_1 : i32
    "tpu.region"() ({
      %run_scoped3A = tpu.sem_alloc : memref<!tpu.dma_semaphore, #tpu.memory_space<semaphore_mem>>
      %dma_start3A_7 = tpu.memref_slice %arg3[%mul3A_2] : memref<2048xi32, #tpu.memory_space<hbm>> -> memref<64xi32, #tpu.memory_space<hbm>>
      %dma_start3A_8 = tpu.memref_slice %arg3[%mul3A_2] : memref<2048xi32, #tpu.memory_space<hbm>> -> memref<64xi32, #tpu.memory_space<hbm>>
      tpu.enqueue_dma source(%dma_start3A_8 : memref<64xi32, #tpu.memory_space<hbm>>) target(%arg5 : memref<64xi32, #tpu.memory_space<vmem>>) target_semaphore(%run_scoped3A : memref<!tpu.dma_semaphore, #tpu.memory_space<semaphore_mem>>)
      %dma_wait3A_9 = tpu.memref_slice %arg3[%mul3A_2] : memref<2048xi32, #tpu.memory_space<hbm>> -> memref<64xi32, #tpu.memory_space<hbm>>
      %dma_wait3A_10 = tpu.memref_slice %arg3[%mul3A_2] : memref<2048xi32, #tpu.memory_space<hbm>> -> memref<64xi32, #tpu.memory_space<hbm>>
      tpu.wait_dma2 semaphore(%run_scoped3A : memref<!tpu.dma_semaphore, #tpu.memory_space<semaphore_mem>>) src(%dma_wait3A_10 : memref<64xi32, #tpu.memory_space<hbm>>) dst(%arg5 : memref<64xi32, #tpu.memory_space<vmem>>)
      tpu.yield
    }) : () -> ()
    %dma_start3A = arith.constant 0 : i32
    %dma_start3A_3 = arith.constant 0 : i32
    %dma_start3A_4 = tpu.memref_slice %arg2[%dma_start3A, %dma_start3A_3] : memref<4096x1024xf32, #tpu.memory_space<hbm>> -> memref<4096x1024xf32, #tpu.memory_space<hbm>>
    tpu.enqueue_indirect_dma source(%dma_start3A_4 : memref<4096x1024xf32, #tpu.memory_space<hbm>>) target(%arg6 : memref<64x1024xf32, #tpu.memory_space<vmem>>) offsets(%arg5 : memref<64xi32, #tpu.memory_space<vmem>>) semaphore(%arg7 : memref<!tpu.dma_semaphore, #tpu.memory_space<semaphore_mem>>)
    %dma_wait3A = arith.constant 0 : i32
    %dma_wait3A_5 = arith.constant 0 : i32
    %dma_wait3A_6 = tpu.memref_slice %arg2[%dma_wait3A, %dma_wait3A_5] : memref<4096x1024xf32, #tpu.memory_space<hbm>> -> memref<4096x1024xf32, #tpu.memory_space<hbm>>
    tpu.wait_indirect_dma semaphore(%arg7 : memref<!tpu.dma_semaphore, #tpu.memory_space<semaphore_mem>>) src(%dma_wait3A_6 : memref<4096x1024xf32, #tpu.memory_space<hbm>>) dst(%arg6 : memref<64x1024xf32, #tpu.memory_space<vmem>>)
    "tpu.region"() ({
      %run_scoped3A = tpu.sem_alloc : memref<!tpu.dma_semaphore, #tpu.memory_space<semaphore_mem>>
      %dma_start3A_7 = arith.constant 0 : i32
      %dma_start3A_8 = tpu.memref_slice %arg4[%mul3A_2, %dma_start3A_7] : memref<2048x1024xf32, #tpu.memory_space<hbm>> -> memref<64x1024xf32, #tpu.memory_space<hbm>>
      %dma_start3A_9 = arith.constant 0 : i32
      %dma_start3A_10 = tpu.memref_slice %arg4[%mul3A_2, %dma_start3A_9] : memref<2048x1024xf32, #tpu.memory_space<hbm>> -> memref<64x1024xf32, #tpu.memory_space<hbm>>
      tpu.enqueue_dma source(%arg6 : memref<64x1024xf32, #tpu.memory_space<vmem>>) target(%dma_start3A_10 : memref<64x1024xf32, #tpu.memory_space<hbm>>) target_semaphore(%run_scoped3A : memref<!tpu.dma_semaphore, #tpu.memory_space<semaphore_mem>>)
      %dma_wait3A_11 = arith.constant 0 : i32
      %dma_wait3A_12 = tpu.memref_slice %arg4[%mul3A_2, %dma_wait3A_11] : memref<2048x1024xf32, #tpu.memory_space<hbm>> -> memref<64x1024xf32, #tpu.memory_space<hbm>>
      %dma_wait3A_13 = arith.constant 0 : i32
      %dma_wait3A_14 = tpu.memref_slice %arg4[%mul3A_2, %dma_wait3A_13] : memref<2048x1024xf32, #tpu.memory_space<hbm>> -> memref<64x1024xf32, #tpu.memory_space<hbm>>
      tpu.wait_dma2 semaphore(%run_scoped3A : memref<!tpu.dma_semaphore, #tpu.memory_space<semaphore_mem>>) src(%arg6 : memref<64x1024xf32, #tpu.memory_space<vmem>>) dst(%dma_wait3A_14 : memref<64x1024xf32, #tpu.memory_space<hbm>>)
      tpu.yield
    }) : () -> ()
    return
  }
}

#map = affine_map<(d0, d1) -> (0, 0)>
#map1 = affine_map<(d0, d1) -> (0)>
module attributes {stable_mosaic.version = 14 : i64} {
  func.func @_scatter_rows(%arg0: i32, %arg1: i32, %arg2: memref<2048x1024xf32, #tpu.memory_space<hbm>>, %arg3: memref<2048xi32, #tpu.memory_space<hbm>>, %arg4: memref<4096x1024xf32, #tpu.memory_space<hbm>>, %arg5: memref<64xi32, #tpu.memory_space<vmem>>, %arg6: memref<64x1024xf32, #tpu.memory_space<vmem>>, %arg7: memref<!tpu.dma_semaphore, #tpu.memory_space<semaphore_mem>>) attributes {dimension_semantics = [#tpu.dimension_semantics<core_parallel>, #tpu.dimension_semantics<subcore_parallel>], iteration_bounds = array<i64: 2, 16>, scalar_prefetch = 0 : i64, scratch_operands = 3 : i64, tpu.core_type = #tpu.core_type<sc_vector_subcore>, window_params = [{transform_indices = #map}, {transform_indices = #map1}, {transform_indices = #map}]} {
    %mul3A = arith.constant 2 : i32
    %mul3A_0 = arith.muli %arg1, %mul3A : i32
    %add3A = arith.addi %mul3A_0, %arg0 : i32
    %mul3A_1 = arith.constant 64 : i32
    %mul3A_2 = arith.muli %add3A, %mul3A_1 : i32
    "tpu.region"() ({
      %run_scoped3A = tpu.sem_alloc : memref<!tpu.dma_semaphore, #tpu.memory_space<semaphore_mem>>
      %dma_start3A_7 = tpu.memref_slice %arg3[%mul3A_2] : memref<2048xi32, #tpu.memory_space<hbm>> -> memref<64xi32, #tpu.memory_space<hbm>>
      %dma_start3A_8 = tpu.memref_slice %arg3[%mul3A_2] : memref<2048xi32, #tpu.memory_space<hbm>> -> memref<64xi32, #tpu.memory_space<hbm>>
      tpu.enqueue_dma source(%dma_start3A_8 : memref<64xi32, #tpu.memory_space<hbm>>) target(%arg5 : memref<64xi32, #tpu.memory_space<vmem>>) target_semaphore(%run_scoped3A : memref<!tpu.dma_semaphore, #tpu.memory_space<semaphore_mem>>)
      %dma_wait3A_9 = tpu.memref_slice %arg3[%mul3A_2] : memref<2048xi32, #tpu.memory_space<hbm>> -> memref<64xi32, #tpu.memory_space<hbm>>
      %dma_wait3A_10 = tpu.memref_slice %arg3[%mul3A_2] : memref<2048xi32, #tpu.memory_space<hbm>> -> memref<64xi32, #tpu.memory_space<hbm>>
      tpu.wait_dma2 semaphore(%run_scoped3A : memref<!tpu.dma_semaphore, #tpu.memory_space<semaphore_mem>>) src(%dma_wait3A_10 : memref<64xi32, #tpu.memory_space<hbm>>) dst(%arg5 : memref<64xi32, #tpu.memory_space<vmem>>)
      tpu.yield
    }) : () -> ()
    "tpu.region"() ({
      %run_scoped3A = tpu.sem_alloc : memref<!tpu.dma_semaphore, #tpu.memory_space<semaphore_mem>>
      %dma_start3A_7 = arith.constant 0 : i32
      %dma_start3A_8 = tpu.memref_slice %arg2[%mul3A_2, %dma_start3A_7] : memref<2048x1024xf32, #tpu.memory_space<hbm>> -> memref<64x1024xf32, #tpu.memory_space<hbm>>
      %dma_start3A_9 = arith.constant 0 : i32
      %dma_start3A_10 = tpu.memref_slice %arg2[%mul3A_2, %dma_start3A_9] : memref<2048x1024xf32, #tpu.memory_space<hbm>> -> memref<64x1024xf32, #tpu.memory_space<hbm>>
      tpu.enqueue_dma source(%dma_start3A_10 : memref<64x1024xf32, #tpu.memory_space<hbm>>) target(%arg6 : memref<64x1024xf32, #tpu.memory_space<vmem>>) target_semaphore(%run_scoped3A : memref<!tpu.dma_semaphore, #tpu.memory_space<semaphore_mem>>)
      %dma_wait3A_11 = arith.constant 0 : i32
      %dma_wait3A_12 = tpu.memref_slice %arg2[%mul3A_2, %dma_wait3A_11] : memref<2048x1024xf32, #tpu.memory_space<hbm>> -> memref<64x1024xf32, #tpu.memory_space<hbm>>
      %dma_wait3A_13 = arith.constant 0 : i32
      %dma_wait3A_14 = tpu.memref_slice %arg2[%mul3A_2, %dma_wait3A_13] : memref<2048x1024xf32, #tpu.memory_space<hbm>> -> memref<64x1024xf32, #tpu.memory_space<hbm>>
      tpu.wait_dma2 semaphore(%run_scoped3A : memref<!tpu.dma_semaphore, #tpu.memory_space<semaphore_mem>>) src(%dma_wait3A_14 : memref<64x1024xf32, #tpu.memory_space<hbm>>) dst(%arg6 : memref<64x1024xf32, #tpu.memory_space<vmem>>)
      tpu.yield
    }) : () -> ()
    %dma_start3A = arith.constant 0 : i32
    %dma_start3A_3 = arith.constant 0 : i32
    %dma_start3A_4 = tpu.memref_slice %arg4[%dma_start3A, %dma_start3A_3] : memref<4096x1024xf32, #tpu.memory_space<hbm>> -> memref<4096x1024xf32, #tpu.memory_space<hbm>>
    tpu.enqueue_indirect_dma source(%arg6 : memref<64x1024xf32, #tpu.memory_space<vmem>>) target(%dma_start3A_4 : memref<4096x1024xf32, #tpu.memory_space<hbm>>) offsets(%arg5 : memref<64xi32, #tpu.memory_space<vmem>>) semaphore(%arg7 : memref<!tpu.dma_semaphore, #tpu.memory_space<semaphore_mem>>)
    %dma_wait3A = arith.constant 0 : i32
    %dma_wait3A_5 = arith.constant 0 : i32
    %dma_wait3A_6 = tpu.memref_slice %arg4[%dma_wait3A, %dma_wait3A_5] : memref<4096x1024xf32, #tpu.memory_space<hbm>> -> memref<4096x1024xf32, #tpu.memory_space<hbm>>
    tpu.wait_indirect_dma semaphore(%arg7 : memref<!tpu.dma_semaphore, #tpu.memory_space<semaphore_mem>>) src(%arg6 : memref<64x1024xf32, #tpu.memory_space<vmem>>) dst(%dma_wait3A_6 : memref<4096x1024xf32, #tpu.memory_space<hbm>>)
    return
  }
}

module attributes {stable_mosaic.version = 14 : i64} {
  func.func @_route_body(%arg0: memref<2048x1xi32, #tpu.memory_space<vmem>>, %arg1: memref<2048x1xi32, #tpu.memory_space<vmem>>, %arg2: memref<16x1xi32, #tpu.memory_space<vmem>>, %arg3: memref<1x1xi32, #tpu.memory_space<vmem>>) attributes {dimension_semantics = [], scalar_prefetch = 0 : i64, scratch_operands = 0 : i64, tpu.core_type = #tpu.core_type<tc>} {
    %get3A = arith.constant 0 : index
    %get3A_0 = arith.constant 0 : index
    %get3A_1 = vector.load %arg0[%get3A, %get3A_0] : memref<2048x1xi32, #tpu.memory_space<vmem>>, vector<2048x1xi32>
    %jit3A = arith.constant 0 : i32
    %jit3A_2 = arith.constant 99999 : i32
    %max3A = vector.broadcast %jit3A : i32 to vector<2048x1xi32>
    %max3A_3 = arith.maxsi %max3A, %get3A_1 : vector<2048x1xi32>
    %min3A = vector.broadcast %jit3A_2 : i32 to vector<2048x1xi32>
    %min3A_4 = arith.minsi %min3A, %max3A_3 : vector<2048x1xi32>
    %rem3A = arith.constant 8 : i32
    %rem3A_5 = vector.broadcast %rem3A : i32 to vector<2048x1xi32>
    %rem3A_6 = arith.remsi %min3A_4, %rem3A_5 : vector<2048x1xi32>
    %iota3A = tpu.iota {dimensions = array<i32: 1>} : vector<2048x128xi32>
    %eq3A = vector.broadcast %rem3A_6 : vector<2048x1xi32> to vector<2048x128xi32>
    %eq3A_7 = arith.cmpi eq, %iota3A, %eq3A : vector<2048x128xi32>
    %jit3A_8 = arith.constant 1 : i32
    %jit3A_9 = arith.constant 0 : i32
    %broadcast_in_dim3A = vector.broadcast %jit3A_8 : i32 to vector<2048x128xi32>
    %broadcast_in_dim3A_10 = vector.broadcast %jit3A_9 : i32 to vector<2048x128xi32>
    %select_n3A = arith.select %eq3A_7, %broadcast_in_dim3A, %broadcast_in_dim3A_10 : vector<2048x128xi1>, vector<2048x128xi32>
    %broadcast_in_dim3A_11 = arith.constant 0 : i32
    %broadcast_in_dim3A_12 = vector.broadcast %broadcast_in_dim3A_11 : i32 to vector<1x128xi32>
    %slice3A = vector.extract_strided_slice %select_n3A {offsets = [0, 0], sizes = [2047, 128], strides = [1, 1]} : vector<2048x128xi32> to vector<2047x128xi32>
    %concatenate3A = tpu.concatenate %broadcast_in_dim3A_12, %slice3A in 0 : vector<1x128xi32>, vector<2047x128xi32> -> vector<2048x128xi32>
    %add3A = arith.addi %select_n3A, %concatenate3A : vector<2048x128xi32>
    %broadcast_in_dim3A_13 = arith.constant 0 : i32
    %broadcast_in_dim3A_14 = vector.broadcast %broadcast_in_dim3A_13 : i32 to vector<2x128xi32>
    %slice3A_15 = vector.extract_strided_slice %add3A {offsets = [0, 0], sizes = [2046, 128], strides = [1, 1]} : vector<2048x128xi32> to vector<2046x128xi32>
    %concatenate3A_16 = tpu.concatenate %broadcast_in_dim3A_14, %slice3A_15 in 0 : vector<2x128xi32>, vector<2046x128xi32> -> vector<2048x128xi32>
    %add3A_17 = arith.addi %add3A, %concatenate3A_16 : vector<2048x128xi32>
    %broadcast_in_dim3A_18 = arith.constant 0 : i32
    %broadcast_in_dim3A_19 = vector.broadcast %broadcast_in_dim3A_18 : i32 to vector<4x128xi32>
    %slice3A_20 = vector.extract_strided_slice %add3A_17 {offsets = [0, 0], sizes = [2044, 128], strides = [1, 1]} : vector<2048x128xi32> to vector<2044x128xi32>
    %concatenate3A_21 = tpu.concatenate %broadcast_in_dim3A_19, %slice3A_20 in 0 : vector<4x128xi32>, vector<2044x128xi32> -> vector<2048x128xi32>
    %add3A_22 = arith.addi %add3A_17, %concatenate3A_21 : vector<2048x128xi32>
    %broadcast_in_dim3A_23 = arith.constant 0 : i32
    %broadcast_in_dim3A_24 = vector.broadcast %broadcast_in_dim3A_23 : i32 to vector<8x128xi32>
    %slice3A_25 = vector.extract_strided_slice %add3A_22 {offsets = [0, 0], sizes = [2040, 128], strides = [1, 1]} : vector<2048x128xi32> to vector<2040x128xi32>
    %concatenate3A_26 = tpu.concatenate %broadcast_in_dim3A_24, %slice3A_25 in 0 : vector<8x128xi32>, vector<2040x128xi32> -> vector<2048x128xi32>
    %add3A_27 = arith.addi %add3A_22, %concatenate3A_26 : vector<2048x128xi32>
    %broadcast_in_dim3A_28 = arith.constant 0 : i32
    %broadcast_in_dim3A_29 = vector.broadcast %broadcast_in_dim3A_28 : i32 to vector<16x128xi32>
    %slice3A_30 = vector.extract_strided_slice %add3A_27 {offsets = [0, 0], sizes = [2032, 128], strides = [1, 1]} : vector<2048x128xi32> to vector<2032x128xi32>
    %concatenate3A_31 = tpu.concatenate %broadcast_in_dim3A_29, %slice3A_30 in 0 : vector<16x128xi32>, vector<2032x128xi32> -> vector<2048x128xi32>
    %add3A_32 = arith.addi %add3A_27, %concatenate3A_31 : vector<2048x128xi32>
    %broadcast_in_dim3A_33 = arith.constant 0 : i32
    %broadcast_in_dim3A_34 = vector.broadcast %broadcast_in_dim3A_33 : i32 to vector<32x128xi32>
    %slice3A_35 = vector.extract_strided_slice %add3A_32 {offsets = [0, 0], sizes = [2016, 128], strides = [1, 1]} : vector<2048x128xi32> to vector<2016x128xi32>
    %concatenate3A_36 = tpu.concatenate %broadcast_in_dim3A_34, %slice3A_35 in 0 : vector<32x128xi32>, vector<2016x128xi32> -> vector<2048x128xi32>
    %add3A_37 = arith.addi %add3A_32, %concatenate3A_36 : vector<2048x128xi32>
    %broadcast_in_dim3A_38 = arith.constant 0 : i32
    %broadcast_in_dim3A_39 = vector.broadcast %broadcast_in_dim3A_38 : i32 to vector<64x128xi32>
    %slice3A_40 = vector.extract_strided_slice %add3A_37 {offsets = [0, 0], sizes = [1984, 128], strides = [1, 1]} : vector<2048x128xi32> to vector<1984x128xi32>
    %concatenate3A_41 = tpu.concatenate %broadcast_in_dim3A_39, %slice3A_40 in 0 : vector<64x128xi32>, vector<1984x128xi32> -> vector<2048x128xi32>
    %add3A_42 = arith.addi %add3A_37, %concatenate3A_41 : vector<2048x128xi32>
    %broadcast_in_dim3A_43 = arith.constant 0 : i32
    %broadcast_in_dim3A_44 = vector.broadcast %broadcast_in_dim3A_43 : i32 to vector<128x128xi32>
    %slice3A_45 = vector.extract_strided_slice %add3A_42 {offsets = [0, 0], sizes = [1920, 128], strides = [1, 1]} : vector<2048x128xi32> to vector<1920x128xi32>
    %concatenate3A_46 = tpu.concatenate %broadcast_in_dim3A_44, %slice3A_45 in 0 : vector<128x128xi32>, vector<1920x128xi32> -> vector<2048x128xi32>
    %add3A_47 = arith.addi %add3A_42, %concatenate3A_46 : vector<2048x128xi32>
    %broadcast_in_dim3A_48 = arith.constant 0 : i32
    %broadcast_in_dim3A_49 = vector.broadcast %broadcast_in_dim3A_48 : i32 to vector<256x128xi32>
    %slice3A_50 = vector.extract_strided_slice %add3A_47 {offsets = [0, 0], sizes = [1792, 128], strides = [1, 1]} : vector<2048x128xi32> to vector<1792x128xi32>
    %concatenate3A_51 = tpu.concatenate %broadcast_in_dim3A_49, %slice3A_50 in 0 : vector<256x128xi32>, vector<1792x128xi32> -> vector<2048x128xi32>
    %add3A_52 = arith.addi %add3A_47, %concatenate3A_51 : vector<2048x128xi32>
    %broadcast_in_dim3A_53 = arith.constant 0 : i32
    %broadcast_in_dim3A_54 = vector.broadcast %broadcast_in_dim3A_53 : i32 to vector<512x128xi32>
    %slice3A_55 = vector.extract_strided_slice %add3A_52 {offsets = [0, 0], sizes = [1536, 128], strides = [1, 1]} : vector<2048x128xi32> to vector<1536x128xi32>
    %concatenate3A_56 = tpu.concatenate %broadcast_in_dim3A_54, %slice3A_55 in 0 : vector<512x128xi32>, vector<1536x128xi32> -> vector<2048x128xi32>
    %add3A_57 = arith.addi %add3A_52, %concatenate3A_56 : vector<2048x128xi32>
    %broadcast_in_dim3A_58 = arith.constant 0 : i32
    %broadcast_in_dim3A_59 = vector.broadcast %broadcast_in_dim3A_58 : i32 to vector<1024x128xi32>
    %slice3A_60 = vector.extract_strided_slice %add3A_57 {offsets = [0, 0], sizes = [1024, 128], strides = [1, 1]} : vector<2048x128xi32> to vector<1024x128xi32>
    %concatenate3A_61 = tpu.concatenate %broadcast_in_dim3A_59, %slice3A_60 in 0 : vector<1024x128xi32>, vector<1024x128xi32> -> vector<2048x128xi32>
    %add3A_62 = arith.addi %add3A_57, %concatenate3A_61 : vector<2048x128xi32>
    %slice3A_63 = vector.extract_strided_slice %add3A_62 {offsets = [2047, 0], sizes = [1, 128], strides = [1, 1]} : vector<2048x128xi32> to vector<1x128xi32>
    %add3A_64 = arith.constant 255 : i32
    %add3A_65 = vector.broadcast %add3A_64 : i32 to vector<1x128xi32>
    %add3A_66 = arith.addi %slice3A_63, %add3A_65 : vector<1x128xi32>
    %jit3A_67 = arith.constant 256 : i32
    %div3A = vector.broadcast %jit3A_67 : i32 to vector<1x128xi32>
    %div3A_68 = arith.divsi %add3A_66, %div3A : vector<1x128xi32>
    %sign3A = arith.constant 0 : i32
    %sign3A_69 = vector.broadcast %sign3A : i32 to vector<1x128xi32>
    %sign3A_70 = arith.cmpi sgt, %add3A_66, %sign3A_69 : vector<1x128xi32>
    %sign3A_71 = arith.extui %sign3A_70 : vector<1x128xi1> to vector<1x128xi32>
    %sign3A_72 = arith.constant 0 : i32
    %sign3A_73 = vector.broadcast %sign3A_72 : i32 to vector<1x128xi32>
    %sign3A_74 = arith.cmpi slt, %add3A_66, %sign3A_73 : vector<1x128xi32>
    %sign3A_75 = arith.extui %sign3A_74 : vector<1x128xi1> to vector<1x128xi32>
    %sign3A_76 = arith.subi %sign3A_71, %sign3A_75 : vector<1x128xi32>
    %sign3A_77 = arith.constant 0 : i32
    %sign3A_78 = arith.cmpi sgt, %jit3A_67, %sign3A_77 : i32
    %sign3A_79 = arith.extui %sign3A_78 : i1 to i32
    %sign3A_80 = arith.constant 0 : i32
    %sign3A_81 = arith.cmpi slt, %jit3A_67, %sign3A_80 : i32
    %sign3A_82 = arith.extui %sign3A_81 : i1 to i32
    %sign3A_83 = arith.subi %sign3A_79, %sign3A_82 : i32
    %ne3A = vector.broadcast %sign3A_83 : i32 to vector<1x128xi32>
    %ne3A_84 = arith.cmpi ne, %sign3A_76, %ne3A : vector<1x128xi32>
    %rem3A_85 = vector.broadcast %jit3A_67 : i32 to vector<1x128xi32>
    %rem3A_86 = arith.remsi %add3A_66, %rem3A_85 : vector<1x128xi32>
    %ne3A_87 = arith.constant 0 : i32
    %ne3A_88 = vector.broadcast %ne3A_87 : i32 to vector<1x128xi32>
    %ne3A_89 = arith.cmpi ne, %rem3A_86, %ne3A_88 : vector<1x128xi32>
    %and3A = arith.andi %ne3A_84, %ne3A_89 : vector<1x128xi1>
    %sub3A = arith.constant 1 : i32
    %sub3A_90 = vector.broadcast %sub3A : i32 to vector<1x128xi32>
    %sub3A_91 = arith.subi %div3A_68, %sub3A_90 : vector<1x128xi32>
    %select_n3A_92 = arith.select %and3A, %sub3A_91, %div3A_68 : vector<1x128xi1>, vector<1x128xi32>
    %mul3A = arith.constant 256 : i32
    %mul3A_93 = vector.broadcast %mul3A : i32 to vector<1x128xi32>
    %mul3A_94 = arith.muli %select_n3A_92, %mul3A_93 : vector<1x128xi32>
    %broadcast_in_dim3A_95 = arith.constant 0 : i32
    %broadcast_in_dim3A_96 = vector.broadcast %broadcast_in_dim3A_95 : i32 to vector<1x1xi32>
    %slice3A_97 = vector.extract_strided_slice %mul3A_94 {offsets = [0, 0], sizes = [1, 127], strides = [1, 1]} : vector<1x128xi32> to vector<1x127xi32>
    %concatenate3A_98 = tpu.concatenate %broadcast_in_dim3A_96, %slice3A_97 in 1 : vector<1x1xi32>, vector<1x127xi32> -> vector<1x128xi32>
    %add3A_99 = arith.addi %mul3A_94, %concatenate3A_98 : vector<1x128xi32>
    %broadcast_in_dim3A_100 = arith.constant 0 : i32
    %broadcast_in_dim3A_101 = vector.broadcast %broadcast_in_dim3A_100 : i32 to vector<1x2xi32>
    %slice3A_102 = vector.extract_strided_slice %add3A_99 {offsets = [0, 0], sizes = [1, 126], strides = [1, 1]} : vector<1x128xi32> to vector<1x126xi32>
    %concatenate3A_103 = tpu.concatenate %broadcast_in_dim3A_101, %slice3A_102 in 1 : vector<1x2xi32>, vector<1x126xi32> -> vector<1x128xi32>
    %add3A_104 = arith.addi %add3A_99, %concatenate3A_103 : vector<1x128xi32>
    %broadcast_in_dim3A_105 = arith.constant 0 : i32
    %broadcast_in_dim3A_106 = vector.broadcast %broadcast_in_dim3A_105 : i32 to vector<1x4xi32>
    %slice3A_107 = vector.extract_strided_slice %add3A_104 {offsets = [0, 0], sizes = [1, 124], strides = [1, 1]} : vector<1x128xi32> to vector<1x124xi32>
    %concatenate3A_108 = tpu.concatenate %broadcast_in_dim3A_106, %slice3A_107 in 1 : vector<1x4xi32>, vector<1x124xi32> -> vector<1x128xi32>
    %add3A_109 = arith.addi %add3A_104, %concatenate3A_108 : vector<1x128xi32>
    %sub3A_110 = arith.subi %add3A_109, %mul3A_94 : vector<1x128xi32>
    %sub3A_111 = arith.constant 1 : i32
    %sub3A_112 = vector.broadcast %sub3A_111 : i32 to vector<2048x128xi32>
    %sub3A_113 = arith.subi %add3A_62, %sub3A_112 : vector<2048x128xi32>
    %add3A_114 = vector.broadcast %sub3A_110 : vector<1x128xi32> to vector<2048x128xi32>
    %add3A_115 = arith.addi %sub3A_113, %add3A_114 : vector<2048x128xi32>
    %mul3A_116 = arith.muli %select_n3A, %add3A_115 : vector<2048x128xi32>
    %reduce_sum3A = arith.constant dense<0> : vector<2048xi32>
    %reduce_sum3A_117 = vector.multi_reduction <add>, %mul3A_116, %reduce_sum3A [1] : vector<2048x128xi32> to vector<2048xi32>
    %broadcast_in_dim3A_118 = vector.shape_cast %reduce_sum3A_117 : vector<2048xi32> to vector<2048x1xi32>
    %swap3A = arith.constant 0 : index
    %swap3A_119 = arith.constant 0 : index
    %swap3A_120 = vector.load %arg1[%swap3A, %swap3A_119] : memref<2048x1xi32, #tpu.memory_space<vmem>>, vector<2048x1xi32>
    tpu.vector_store %arg1[%swap3A, %swap3A_119], %broadcast_in_dim3A_118 {strides = array<i32>} : memref<2048x1xi32, #tpu.memory_space<vmem>>, vector<2048x1xi32>,
    %iota3A_121 = tpu.iota {dimensions = array<i32: 0>} : vector<16x128xi32>
    %iota3A_122 = tpu.iota {dimensions = array<i32: 1>} : vector<16x128xi32>
    %jit3A_123 = arith.constant 256 : i32
    %div3A_124 = vector.broadcast %jit3A_123 : i32 to vector<1x128xi32>
    %div3A_125 = arith.divsi %sub3A_110, %div3A_124 : vector<1x128xi32>
    %sign3A_126 = arith.constant 0 : i32
    %sign3A_127 = vector.broadcast %sign3A_126 : i32 to vector<1x128xi32>
    %sign3A_128 = arith.cmpi sgt, %sub3A_110, %sign3A_127 : vector<1x128xi32>
    %sign3A_129 = arith.extui %sign3A_128 : vector<1x128xi1> to vector<1x128xi32>
    %sign3A_130 = arith.constant 0 : i32
    %sign3A_131 = vector.broadcast %sign3A_130 : i32 to vector<1x128xi32>
    %sign3A_132 = arith.cmpi slt, %sub3A_110, %sign3A_131 : vector<1x128xi32>
    %sign3A_133 = arith.extui %sign3A_132 : vector<1x128xi1> to vector<1x128xi32>
    %sign3A_134 = arith.subi %sign3A_129, %sign3A_133 : vector<1x128xi32>
    %sign3A_135 = arith.constant 0 : i32
    %sign3A_136 = arith.cmpi sgt, %jit3A_123, %sign3A_135 : i32
    %sign3A_137 = arith.extui %sign3A_136 : i1 to i32
    %sign3A_138 = arith.constant 0 : i32
    %sign3A_139 = arith.cmpi slt, %jit3A_123, %sign3A_138 : i32
    %sign3A_140 = arith.extui %sign3A_139 : i1 to i32
    %sign3A_141 = arith.subi %sign3A_137, %sign3A_140 : i32
    %ne3A_142 = vector.broadcast %sign3A_141 : i32 to vector<1x128xi32>
    %ne3A_143 = arith.cmpi ne, %sign3A_134, %ne3A_142 : vector<1x128xi32>
    %rem3A_144 = vector.broadcast %jit3A_123 : i32 to vector<1x128xi32>
    %rem3A_145 = arith.remsi %sub3A_110, %rem3A_144 : vector<1x128xi32>
    %ne3A_146 = arith.constant 0 : i32
    %ne3A_147 = vector.broadcast %ne3A_146 : i32 to vector<1x128xi32>
    %ne3A_148 = arith.cmpi ne, %rem3A_145, %ne3A_147 : vector<1x128xi32>
    %and3A_149 = arith.andi %ne3A_143, %ne3A_148 : vector<1x128xi1>
    %sub3A_150 = arith.constant 1 : i32
    %sub3A_151 = vector.broadcast %sub3A_150 : i32 to vector<1x128xi32>
    %sub3A_152 = arith.subi %div3A_125, %sub3A_151 : vector<1x128xi32>
    %select_n3A_153 = arith.select %and3A_149, %sub3A_152, %div3A_125 : vector<1x128xi1>, vector<1x128xi32>
    %ge3A = vector.broadcast %select_n3A_153 : vector<1x128xi32> to vector<16x128xi32>
    %ge3A_154 = arith.cmpi sge, %iota3A_121, %ge3A : vector<16x128xi32>
    %jit3A_155 = arith.constant 256 : i32
    %div3A_156 = vector.broadcast %jit3A_155 : i32 to vector<1x128xi32>
    %div3A_157 = arith.divsi %add3A_109, %div3A_156 : vector<1x128xi32>
    %sign3A_158 = arith.constant 0 : i32
    %sign3A_159 = vector.broadcast %sign3A_158 : i32 to vector<1x128xi32>
    %sign3A_160 = arith.cmpi sgt, %add3A_109, %sign3A_159 : vector<1x128xi32>
    %sign3A_161 = arith.extui %sign3A_160 : vector<1x128xi1> to vector<1x128xi32>
    %sign3A_162 = arith.constant 0 : i32
    %sign3A_163 = vector.broadcast %sign3A_162 : i32 to vector<1x128xi32>
    %sign3A_164 = arith.cmpi slt, %add3A_109, %sign3A_163 : vector<1x128xi32>
    %sign3A_165 = arith.extui %sign3A_164 : vector<1x128xi1> to vector<1x128xi32>
    %sign3A_166 = arith.subi %sign3A_161, %sign3A_165 : vector<1x128xi32>
    %sign3A_167 = arith.constant 0 : i32
    %sign3A_168 = arith.cmpi sgt, %jit3A_155, %sign3A_167 : i32
    %sign3A_169 = arith.extui %sign3A_168 : i1 to i32
    %sign3A_170 = arith.constant 0 : i32
    %sign3A_171 = arith.cmpi slt, %jit3A_155, %sign3A_170 : i32
    %sign3A_172 = arith.extui %sign3A_171 : i1 to i32
    %sign3A_173 = arith.subi %sign3A_169, %sign3A_172 : i32
    %ne3A_174 = vector.broadcast %sign3A_173 : i32 to vector<1x128xi32>
    %ne3A_175 = arith.cmpi ne, %sign3A_166, %ne3A_174 : vector<1x128xi32>
    %rem3A_176 = vector.broadcast %jit3A_155 : i32 to vector<1x128xi32>
    %rem3A_177 = arith.remsi %add3A_109, %rem3A_176 : vector<1x128xi32>
    %ne3A_178 = arith.constant 0 : i32
    %ne3A_179 = vector.broadcast %ne3A_178 : i32 to vector<1x128xi32>
    %ne3A_180 = arith.cmpi ne, %rem3A_177, %ne3A_179 : vector<1x128xi32>
    %and3A_181 = arith.andi %ne3A_175, %ne3A_180 : vector<1x128xi1>
    %sub3A_182 = arith.constant 1 : i32
    %sub3A_183 = vector.broadcast %sub3A_182 : i32 to vector<1x128xi32>
    %sub3A_184 = arith.subi %div3A_157, %sub3A_183 : vector<1x128xi32>
    %select_n3A_185 = arith.select %and3A_181, %sub3A_184, %div3A_157 : vector<1x128xi1>, vector<1x128xi32>
    %lt3A = vector.broadcast %select_n3A_185 : vector<1x128xi32> to vector<16x128xi32>
    %lt3A_186 = arith.cmpi slt, %iota3A_121, %lt3A : vector<16x128xi32>
    %and3A_187 = arith.andi %ge3A_154, %lt3A_186 : vector<16x128xi1>
    %lt3A_188 = arith.constant 8 : i32
    %lt3A_189 = vector.broadcast %lt3A_188 : i32 to vector<16x128xi32>
    %lt3A_190 = arith.cmpi slt, %iota3A_122, %lt3A_189 : vector<16x128xi32>
    %and3A_191 = arith.andi %and3A_187, %lt3A_190 : vector<16x128xi1>
    %jit3A_192 = arith.constant 0 : i32
    %broadcast_in_dim3A_193 = vector.broadcast %jit3A_192 : i32 to vector<16x128xi32>
    %select_n3A_194 = arith.select %and3A_191, %iota3A_122, %broadcast_in_dim3A_193 : vector<16x128xi1>, vector<16x128xi32>
    %reduce_sum3A_195 = arith.constant dense<0> : vector<16xi32>
    %reduce_sum3A_196 = vector.multi_reduction <add>, %select_n3A_194, %reduce_sum3A_195 [1] : vector<16x128xi32> to vector<16xi32>
    %broadcast_in_dim3A_197 = vector.shape_cast %reduce_sum3A_196 : vector<16xi32> to vector<16x1xi32>
    %swap3A_198 = arith.constant 0 : index
    %swap3A_199 = arith.constant 0 : index
    %swap3A_200 = vector.load %arg2[%swap3A_198, %swap3A_199] : memref<16x1xi32, #tpu.memory_space<vmem>>, vector<16x1xi32>
    tpu.vector_store %arg2[%swap3A_198, %swap3A_199], %broadcast_in_dim3A_197 {strides = array<i32>} : memref<16x1xi32, #tpu.memory_space<vmem>>, vector<16x1xi32>,
    %eq3A_201 = arith.constant 7 : i32
    %eq3A_202 = vector.broadcast %eq3A_201 : i32 to vector<2048x128xi32>
    %eq3A_203 = arith.cmpi eq, %iota3A, %eq3A_202 : vector<2048x128xi32>
    %jit3A_204 = arith.constant 0 : i32
    %broadcast_in_dim3A_205 = vector.shape_cast %add3A_109 : vector<1x128xi32> to vector<1x128xi32>
    %broadcast_in_dim3A_206 = vector.broadcast %broadcast_in_dim3A_205 : vector<1x128xi32> to vector<2048x128xi32>
    %broadcast_in_dim3A_207 = vector.broadcast %jit3A_204 : i32 to vector<2048x128xi32>
    %select_n3A_208 = arith.select %eq3A_203, %broadcast_in_dim3A_206, %broadcast_in_dim3A_207 : vector<2048x128xi1>, vector<2048x128xi32>
    %slice3A_209 = vector.extract_strided_slice %select_n3A_208 {offsets = [0, 0], sizes = [1, 128], strides = [1, 1]} : vector<2048x128xi32> to vector<1x128xi32>
    %reduce_sum3A_210 = arith.constant dense<0> : vector<1xi32>
    %reduce_sum3A_211 = vector.multi_reduction <add>, %slice3A_209, %reduce_sum3A_210 [1] : vector<1x128xi32> to vector<1xi32>
    %broadcast_in_dim3A_212 = vector.shape_cast %reduce_sum3A_211 : vector<1xi32> to vector<1x1xi32>
    %jit3A_213 = arith.constant 256 : i32
    %div3A_214 = vector.broadcast %jit3A_213 : i32 to vector<1x1xi32>
    %div3A_215 = arith.divsi %broadcast_in_dim3A_212, %div3A_214 : vector<1x1xi32>
    %sign3A_216 = arith.constant 0 : i32
    %sign3A_217 = vector.broadcast %sign3A_216 : i32 to vector<1x1xi32>
    %sign3A_218 = arith.cmpi sgt, %broadcast_in_dim3A_212, %sign3A_217 : vector<1x1xi32>
    %sign3A_219 = arith.extui %sign3A_218 : vector<1x1xi1> to vector<1x1xi32>
    %sign3A_220 = arith.constant 0 : i32
    %sign3A_221 = vector.broadcast %sign3A_220 : i32 to vector<1x1xi32>
    %sign3A_222 = arith.cmpi slt, %broadcast_in_dim3A_212, %sign3A_221 : vector<1x1xi32>
    %sign3A_223 = arith.extui %sign3A_222 : vector<1x1xi1> to vector<1x1xi32>
    %sign3A_224 = arith.subi %sign3A_219, %sign3A_223 : vector<1x1xi32>
    %sign3A_225 = arith.constant 0 : i32
    %sign3A_226 = arith.cmpi sgt, %jit3A_213, %sign3A_225 : i32
    %sign3A_227 = arith.extui %sign3A_226 : i1 to i32
    %sign3A_228 = arith.constant 0 : i32
    %sign3A_229 = arith.cmpi slt, %jit3A_213, %sign3A_228 : i32
    %sign3A_230 = arith.extui %sign3A_229 : i1 to i32
    %sign3A_231 = arith.subi %sign3A_227, %sign3A_230 : i32
    %ne3A_232 = vector.broadcast %sign3A_231 : i32 to vector<1x1xi32>
    %ne3A_233 = arith.cmpi ne, %sign3A_224, %ne3A_232 : vector<1x1xi32>
    %rem3A_234 = vector.broadcast %jit3A_213 : i32 to vector<1x1xi32>
    %rem3A_235 = arith.remsi %broadcast_in_dim3A_212, %rem3A_234 : vector<1x1xi32>
    %ne3A_236 = arith.constant 0 : i32
    %ne3A_237 = vector.broadcast %ne3A_236 : i32 to vector<1x1xi32>
    %ne3A_238 = arith.cmpi ne, %rem3A_235, %ne3A_237 : vector<1x1xi32>
    %and3A_239 = arith.andi %ne3A_233, %ne3A_238 : vector<1x1xi1>
    %sub3A_240 = arith.constant 1 : i32
    %sub3A_241 = vector.broadcast %sub3A_240 : i32 to vector<1x1xi32>
    %sub3A_242 = arith.subi %div3A_215, %sub3A_241 : vector<1x1xi32>
    %select_n3A_243 = arith.select %and3A_239, %sub3A_242, %div3A_215 : vector<1x1xi1>, vector<1x1xi32>
    %swap3A_244 = arith.constant 0 : index
    %swap3A_245 = arith.constant 0 : index
    %swap3A_246 = vector.load %arg3[%swap3A_244, %swap3A_245] : memref<1x1xi32, #tpu.memory_space<vmem>>, vector<1x1xi32>
    tpu.vector_store %arg3[%swap3A_244, %swap3A_245], %select_n3A_243 {strides = array<i32>} : memref<1x1xi32, #tpu.memory_space<vmem>>, vector<1x1xi32>,
    return
  }
}

</mosaic_0001>

<sc_bundles>
// kernel: kernel.5.cloned.1.call-start
scs
__scs_entry_jumppad:
0x0: {  	(pc) =	sbr.rel $0x88, $3  }
0x1: {  	(tag) =	ssettag $0x0;
	lr =	simm.s32 $0x1  }
0x2: {  	[smem:$0x3F9F] =	sst lr;
	_ =	strace $0xD0000000  }
0x3: {  	_ = 	snop  }
0x4: {  	_ = 	snop  }
0x5: {  	_ = 	snop  }
0x6: {  	_ = 	snop  }
0x7: {  	_ = 	snop  }
__scs_overlays_trampoline_lowered:
0x8: {  	[smem:$0x3FAE] =	sst s0  }
0x9: {  	[smem:$0x3FAF] =	sst s1  }
0xa: {  	[smem:$0x3FB0] =	sst s2  }
0xb: {  	[smem:$0x3FB1] =	sst s3  }
0xc: {  	[smem:$0x3FB2] =	sst s4  }
0xd: {  	[smem:$0x3FB3] =	sst s5  }
0xe: {  	[smem:$0x3FB4] =	sst s6  }
0xf: {  	[smem:$0x3FB5] =	sst s7  }
0x10: {  	[smem:$0x3FB6] =	sst s8  }
0x11: {  	[smem:$0x3FB7] =	sst s9;
	s0 =	simm.s32 @!p0 $0x0  }
0x12: {  	s1 =	sld [smem:$0x3F9D];
	s0 =	simm.s32 @p0 $0x1  }
0x13: {  	[smem:$0x3FB8] =	sst s0;
	s0 =	simm.s32 @!p1 $0x0  }
0x14: {  	s2 =	sld [smem:$0x3F9C];
	s0 =	simm.s32 @p1 $0x1  }
0x15: {  	[smem:$0x3FB9] =	sst s0;
	s0 =	simm.s32 @!p2 $0x0  }
0x16: {  	s3 =	sld [smem:$0x3FDB];
	s0 =	simm.s32 @p2 $0x1  }
0x17: {  	s4 =	simm.s32 $0x1BF5;
	[smem:$0x3FBB] =	sst s0  }
0x18: {  	s0 =	sld [smem:$0x3F9E];
	_ =	swait.ge [sflag:s4], $0x0  }
0x19: {  	s7 =	sld [smem:$0x3F9F]  }
0x1a: {  	s8 =	sadd.s32 $0xFFFFE003, lr  }
0x1b: {  	s9 =	sadd.s32 $0xFFFFFEF7, lr;
	s5 =	simm.s32 $0xFFFFFFFF;
	p2 =	slt.u32 s8, $0xFFFFF086  }
0x1c: {  	p1 =	slt.u32 s9, $0xF7A;
	s5 =	simm.s32 @!p2 $0x0  }
0x1d: {  	s5 =	simm.s32 @p1 $0x1;
	p0 =	seq.s32 s7, s2  }
0x1e: {  	s7 =	smul.u32 @!p0 $0xF7A, s2;
	p2 =	seq.s32 @!p0 s5, $0x0  }
0x1f: {  	s9 =	smul.u32 $0xF7A, s1;
	s8 =	simm.s32 @!p0 $0x1BF5;
	p2 =	por !p2, p0  }
0x20: {  	[sflag:s8] =	ssyncset.s32 @!p0 $0xFFFFF086;
	s6 =	sadd.s32 @!p0 s3, s7;
	s7 =	simm.s32 @!p0 $0x108  }
0x21: {  	s3 =	sadd.s32 s3, s9;
	s6 =	sadd.s32 @!p0 $0x88, s6;
	s7 =	simm.s32 @p2 $0x1082  }
0x22: {  	[simem:s7], [sflag:s8] =	dma.local @!p0 [hbm:s6], $0xF7A  }
0x23: {  	s9 =	sor.u32 $0xD0000000, s2;
	s6 =	simm.s32 $0x108;
	_ =	swait.ge @!p0 [sflag:s8], $0x0  }
0x24: {  	s3 =	sadd.s32 $0x88, s3;
	s6 =	simm.s32 @!p1 $0x1082;
	[sflag:s4] =	ssyncset.s32 $0xFFFFF086  }
0x25: {  	[simem:s6], [sflag:s4] =	dma.local [hbm:s3], $0xF7A  }
0x26: {  	[smem:$0x3F9F] =	sst s1;
	(tag) =	ssettag s2;
	_ =	strace s9  }
0x27: {  	s1 =	sld [smem:$0x3FAF]  }
0x28: {  	s2 =	sld [smem:$0x3FB0]  }
0x29: {  	s4 =	sld [smem:$0x3FB2]  }
0x2a: {  	p0 =	seq.s32 s5, $0x0;
	s5 =	sld [smem:$0x3FB3]  }
0x2b: {  	s6 =	sld [smem:$0x3FB4]  }
0x2c: {  	s7 =	sld [smem:$0x3FB5]  }
0x2d: {  	s3 =	simm.s32 $0x108;
	s8 =	sld [smem:$0x3FB6]  }
0x2e: {  	s3 =	simm.s32 @!p0 $0x1082;
	s9 =	sld [smem:$0x3FB7]  }
0x2f: {  	lr =	sadd.s32 s0, s3;
	s0 =	sld [smem:$0x3FAE]  }
0x30: {  	s3 =	sld [smem:$0x3FB1]  }
0x31: {  	[smem:$0x3FBA] =	sst s10  }
0x32: {  	s10 =	sld [smem:$0x3FB8];
	_ =	sdelay $0x3  }
0x33: {  	p0 =	seq.s32 s10, $0x1;
	s10 =	sld [smem:$0x3FBA];
	_ =	sdelay $0x3  }
0x34: {  	[smem:$0x3FBA] =	sst s10  }
0x35: {  	s10 =	sld [smem:$0x3FB9];
	_ =	sdelay $0x3  }
0x36: {  	p1 =	seq.s32 s10, $0x1;
	s10 =	sld [smem:$0x3FBA];
	_ =	sdelay $0x3  }
0x37: {  	[smem:$0x3FBA] =	sst s10  }
0x38: {  	s10 =	sld [smem:$0x3FBB]  }
0x39: {  	_ = 	snop;
	(pc) =	sbr.ind lr, $3  }
0x3a: {  	_ = 	snop  }
0x3b: {  	_ = 	snop  }
0x3c: {  	p2 =	seq.s32 s10, $0x1;
	s10 =	sld [smem:$0x3FBA]  }
0x3d: {  	_ =	shalt  }
0x3e: {  	_ =	shalt  }
0x3f: {  	_ =	shalt  }
0x40: {  	_ =	shalt  }
0x41: {  	_ =	shalt  }
0x42: {  	_ =	shalt  }
0x43: {  	_ =	shalt  }
0x44: {  	_ =	shalt  }
0x45: {  	_ =	shalt  }
0x46: {  	_ =	shalt  }
0x47: {  	_ =	shalt  }
0x48: {  	_ =	shalt  }
0x49: {  	_ =	shalt  }
0x4a: {  	_ =	shalt  }
0x4b: {  	_ =	shalt  }
0x4c: {  	_ =	shalt  }
0x4d: {  	_ =	shalt  }
0x4e: {  	_ =	shalt  }
0x4f: {  	_ =	shalt  }
0x50: {  	_ =	shalt  }
0x51: {  	_ =	shalt  }
0x52: {  	_ =	shalt  }
0x53: {  	_ =	shalt  }
0x54: {  	_ =	shalt  }
0x55: {  	_ =	shalt  }
0x56: {  	_ =	shalt  }
0x57: {  	_ =	shalt  }
0x58: {  	_ =	shalt  }
0x59: {  	_ =	shalt  }
0x5a: {  	_ =	shalt  }
0x5b: {  	_ =	shalt  }
0x5c: {  	_ =	shalt  }
0x5d: {  	_ =	shalt  }
0x5e: {  	_ =	shalt  }
0x5f: {  	_ =	shalt  }
0x60: {  	_ =	shalt  }
0x61: {  	_ =	shalt  }
0x62: {  	_ =	shalt  }
0x63: {  	_ =	shalt  }
0x64: {  	_ =	shalt  }
0x65: {  	_ =	shalt  }
0x66: {  	_ =	shalt  }
0x67: {  	_ =	shalt  }
0x68: {  	_ =	shalt  }
0x69: {  	_ =	shalt  }
0x6a: {  	_ =	shalt  }
0x6b: {  	_ =	shalt  }
0x6c: {  	_ =	shalt  }
0x6d: {  	_ =	shalt  }
0x6e: {  	_ =	shalt  }
0x6f: {  	_ =	shalt  }
0x70: {  	_ =	shalt  }
0x71: {  	_ =	shalt  }
0x72: {  	_ =	shalt  }
0x73: {  	_ =	shalt  }
0x74: {  	_ =	shalt  }
0x75: {  	_ =	shalt  }
0x76: {  	_ =	shalt  }
0x77: {  	_ =	shalt  }
0x78: {  	_ =	shalt  }
0x79: {  	_ =	shalt  }
0x7a: {  	_ =	shalt  }
0x7b: {  	_ =	shalt  }
0x7c: {  	_ =	shalt  }
0x7d: {  	_ =	shalt  }
0x7e: {  	_ =	shalt  }
0x7f: {  	_ =	shalt  }
0x80: {  	_ =	shalt  }
0x81: {  	_ =	shalt  }
0x82: {  	_ =	shalt  }
0x83: {  	_ =	shalt  }
0x84: {  	_ =	shalt  }
0x85: {  	_ =	shalt  }
0x86: {  	_ =	shalt  }
0x87: {  	_ =	shalt  }
.Lfunc_end0:
.L_simem_size_0:
called_computation_lowered:
.L_overlay_start_0:
0x88: {  	s2 =	sld [smem:$0x3FD9]  }
0x89: {  	s3 =	sld [smem:$0x3FFE];
	_ =	sdelay $0x1  }
0x8a: {  	s1 =	srdreg.scid  }
0x8b: {  	s0 =	sand.u32 $0x1, s1  }
0x8c: {  	s17 =	sshll.u32 s0, $0xA;
	s2 =	sadd.s32 s3, s2  }
0x8d: {  	s2 =	sadd.s32 s2, s17  }
0x8e: {  	[smem:$0x3FC6] =	sst s2  }
0x8f: {  	_ = 	snop  }
0x90: {  	s2 =	sld [smem:$0x3FC9];
	(tm) =	ssettm $0x1  }
0x91: {  	s18 =	sld [smem:$0x3FFB];
	_ =	sdelay $0x3  }
0x92: {  	_ =	strace s18  }
0x93: {  	s3 =	sld [smem:$0x3FFC];
	_ =	sdelay $0x3  }
0x94: {  	_ =	strace s3  }
0x95: {  	s3 =	sld [smem:$0x3FFD];
	_ =	sdelay $0x3  }
0x96: {  	_ =	strace s3  }
0x97: {  	_ =	strace $0x8FFFFFFF  }
0x98: {  	s19 =	sld [smem:$0x3FDB];
	_ =	sdelay $0x1  }
0x99: {  	s4 =	simm.s32 $_scs_section_size  }
0x9a: {  	s5 =	simm.s32 $_size__tile_overlayer_lowered;
	s6 =	simm.s32 $_tile_overlayer_lowered  }
0x9b: {  	s22 =	simm.s32 $0x1BFF;
	s21 =	sshll.u32 s6, $0x1;
	s3 =	sadd.s32 s4, s19  }
0x9c: {  	s7 =	simm.s32 $0x0;
	s20 =	sshll.u32 s5, $0x1;
	s5 =	sadd.s32 s21, s3  }
0x9d: {  	[timem:s7], [sflag:s22] =	dma.local [hbm:s5], s20  }
0x9e: {  	_ =	swait.ge [sflag:s22], s20  }
0x9f: {  	s4 =	ssub.s32 $0x0, s20;
	[sflag:s22] =	ssyncset.done $0x0  }
0xa0: {  	[sflag:s22] =	ssyncadd.s32 s4;
	_ =	sdelay $0x1  }
0xa1: {  	s23 =	simm.s32 $0x1B8B  }
0xa2: {  	_ =	swait.ge [sflag:s23], $0x1  }
0xa3: {  	[sflag:s23] =	ssyncset.done $0x0  }
0xa4: {  	s25 =	simm.s32 $0x1B8E;
	s24 =	sld [smem:$0x3FFE];
	[sflag:s23] =	ssyncadd.s32 $0xFFFFFFFF  }
0xa5: {  	s26 =	simm.s32 $execute0_lowered;
	[smem:$0x3FD2] =	sst s25  }
0xa6: {  	s5 =	sshll.u32 s26, $0x1;
	_ =	strace $0x80000046;
	[dreg:$0x1] =	wrdreg $0xFFFFFFFF  }
0xa7: {  	s28 =	simm.s32 $_size_execute0_lowered;
	s3 =	sadd.s32 s3, s5;
	[dreg:$0x0] =	wrdreg $0x0  }
0xa8: {  	s5 =	sshll.u32 s28, $0x1;
	[dreg:$0x2] =	wrdreg s3  }
0xa9: {  	[dreg:$0x3] =	wrdreg s5  }
0xaa: {  	[dreg:$0x4] =	wrdreg $0xC0  }
0xab: {  	_ =	task [dreg:s7], $0x5FFFF  }
0xac: {  	[dreg:$0x1] =	wrdreg $0xFFFFFFFF  }
0xad: {  	[dreg:$0x0] =	wrdreg $0x60  }
0xae: {  	[dreg:$0x2] =	wrdreg s2  }
0xaf: {  	[dreg:$0x3] =	wrdreg s24  }
0xb0: {  	[dreg:$0x4] =	wrdreg $0x9  }
0xb1: {  	_ =	task.clear_ibuf [dreg:s7], $0x5FFFF;
	_ =	strace $0x90000046  }
0xb2: {  	s29 =	simm.s32 $0x9;
	_ =	strace $0x80000048  }
0xb3: {  	_ =	swait.ge [sflag:s29], $0x1  }
0xb4: {  	[sflag:s29] =	ssyncadd.s32 $0xFFFFFFFF  }
0xb5: {  	_ =	strace $0x90000048  }
0xb6: {  	_ =	sfence  }
0xb7: {  	s30 =	sld [smem:$0x0];
	_ =	sdelay $0x2  }
0xb8: {  	s31 =	sshll.u32 s1, $0xD;
	s1 =	sshrl.u32 s1, $0x2  }
0xb9: {  	s3 =	sand.u32 $0x4000, s31;
	s1 =	sadd.s32 s1, s30  }
0xba: {  	s0 =	sor.u32 s3, s0;
	s1 =	sshll.u32 s1, $0x11  }
0xbb: {  	s0 =	sor.u32 s1, s0  }
0xbc: {  	s0 =	sadd.s32 $0x8F2B, s0  }
0xbd: {  	[sflag:s0] =	ssyncadd.remote.s32 $0x1  }
0xbe: {  	_ =	sfence.sel $0xFFFF  }
0xbf: {  	[dreg:$0x0] =	wrdreg $0xFFFFFFFF;
	(pc) =	sbr.abs _section_cstart, $3  }
0xc0: {  	[dreg:$0x1] =	wrdreg $0xFFFFFFFF  }
0xc1: {  	_ =	task.clear_ibuf [dreg:s7], $0x2FFFF;
	_ =	strace $0x9FFFFFFF  }
0xc2: {  	(tm) =	ssettm $0x7FFFFFFF  }
0xc3: {  	_ =	shalt  }
tec
execute0_lowered:
.L_overlay_start_1:
0x0: {  	(tag) =	ssettag $0x1  }
0x1: {  	s1 =	srdreg.scid  }
0x2: {  	s0 =	stileid.u32;
	s3 =	rddreg [dreg:$0x0]  }
0x3: {  	s6 =	rddreg [dreg:$0x1];
	s18 =	simm.s32 $0x880;
	s19 =	simm.s32 $0x1080  }
0x4: {  	s20 =	simm.s32 $0x1880;
	s22 =	simm.s32 $0x2080;
	s23 =	simm.s32 $0x2880  }
0x5: {  	s7 =	simm.s32 $0x3080;
	s24 =	simm.s32 $0x3880;
	s8 =	simm.s32 $0x4080  }
0x6: {  	s25 =	simm.s32 $0x4880;
	s26 =	simm.s32 $0x5080;
	s1 =	sand.u32 $0x1, s1  }
0x7: {  	s9 =	simm.s32 $0x80;
	s2 =	sshll.u32 s0, $0x7;
	s4 =	sshll.u32 s1, $0x6  }
0x8: {  	s11 =	simm.s32 $0x6080;
	s4 =	sor.u32 s4, s2;
	s2 =	simm.s32 $0x0  }
0x9: {  	s12 =	simm.s32 $0x6880;
	s13 =	simm.s32 $0x7080;
	[smem:$0x7FF] =	sst s2  }
0xa: {  	s14 =	simm.s32 $0x7880;
	_ =	strace $0x80000047;
	[dreg:$0x5] =	wrdreg s18  }
0xb: {  	s15 =	simm.s32 $0x8080;
	s16 =	simm.s32 $0x8880;
	[dreg:$0x6] =	wrdreg s19  }
0xc: {  	s17 =	simm.s32 $0x9080;
	s28 =	simm.s32 $0xE080;
	[dreg:$0x7] =	wrdreg s20  }
0xd: {  	s29 =	simm.s32 $0xE880;
	s30 =	simm.s32 $0xF080;
	[dreg:$0x8] =	wrdreg s22  }
0xe: {  	s31 =	simm.s32 $0xF880;
	s1 =	ssub.s32 $0x2, s1;
	[dreg:$0x9] =	wrdreg s23  }
0xf: {  	s21 =	sshrl.u32 s1, $0x1;
	s5 =	sshrl.u32 s4, $0x3;
	[dreg:$0xa] =	wrdreg s7  }
0x10: {  	s4 =	sshll.u32 s4, $0x7;
	s1 =	ssub.s32 s1, s21;
	[dreg:$0xb] =	wrdreg s24  }
0x11: {  	s21 =	simm.s32 $0xB080;
	s5 =	sadd.s32 s5, s6;
	[dreg:$0xc] =	wrdreg s8  }
0x12: {  	s3 =	sadd.s32 s3, s4;
	s4 =	sadd.s32 $0x900, s6;
	[dreg:$0xd] =	wrdreg s25  }
0x13: {  	s7 =	smax.u32 s1, $0x1;
	s8 =	simm.s32 $0x2;
	[dreg:$0xe] =	wrdreg s26  }
0x14: {  	s18 =	simm.s32 $0x9880;
	s19 =	simm.s32 $0xA080;
	s20 =	simm.s32 $0xA880  }
0x15: {  	s22 =	simm.s32 $0xB880;
	s23 =	simm.s32 $0xC080;
	s24 =	simm.s32 $0xC880  }
0x16: {  	v2 =	vlaneseq.u32;
	s25 =	simm.s32 $0xD080;
	s26 =	simm.s32 $0xD880;
	s1 =	simm.s32 $0x1  }
0x17: {  	vm0 =	vmmov $0xffff;
	v1 =	vshrl.u32 v2, $0x3;
	s5 =	sadd.s32 $0x600, s5;
	[dreg:$0x4] =	wrdreg s3;
	s3 =	sadd.s32 $0x800, s6  }
0x18: {  	v0 =	vand.u32 $0x7, v2;
	v2 =	vor.u32 $0x8, v2;
	v1 =	vmul.u32 $0x8, v1;
	[dreg:$0x3] =	wrdreg s5;
	s5 =	sadd.s32 $0xA00, s6;
	s6 =	sadd.s32 $0xB00, s6  }
.LBB2_1:
0x19: {  	s0 =	rddreg [dreg:$0x3]  }
0x1a: {  	[tilespmem:s2], [sflag:$0x2] =	stream.linear.gather [hbm4b:s0+s2], $0x40, $0x38;
	[tilespmem:$0x10080] =	vst v63  }
0x1b: {  	_ =	swait.ge [sflag:s8], $0x40  }
0x1c: {  	[sflag:s8] =	ssyncset.done $0x0  }
0x1d: {  	s10 =	rddreg [dreg:$0x4];
	[sflag:s8] =	ssyncadd.s32 $0xFFFFFFC0  }
0x1e: {  	[tilespmem:s9], [sflag:$0x2] =	stream.linear.gather [hbm4b:s10+s2], $0x10000, $0x38;
	[tilespmem:$0x10080] =	vst v63  }
0x1f: {  	_ =	swait.ge [sflag:s8], $0x10000  }
0x20: {  	[sflag:s8] =	ssyncset.done $0x0  }
0x21: {  	[sflag:s8] =	ssyncadd.s32 $0xFFFF0000  }
0x22: {  	v3 =	vld [tilespmem:$0x0];
	_ =	sdelay $0x4  }
0x23: {  	v4 =	vshll.u32 v3, $0x3  }
0x24: {  	v3 =	vand.u32 $0x7, v3;
	v4 =	vand.u32 $0xFFFFFFC0, v4  }
0x25: {  	v3 =	vor.u32 v3, v4  }
0x26: {  	v4 =	vperm.xlane v3, v0;
	_ =	sdelay $0x1  }
0x27: {  	v4 =	vadd.s32 v1, v4;
	_ =	sdelay $0x4  }
0x28: {  	[hbm4b:s3+s2] =	stream.indirect_vreg.scatter [tilespmem:s9], [sflag:$0x1], $0x80, v4, vm0, $0xb8;
	[tilespmem:$0x10080] =	vst v63  }
0x29: {  	s0 =	rddreg [dreg:$0x5];
	v3 =	vperm.xlane v3, v2  }
0x2a: {  	[hbm4b:s4+s2] =	stream.indirect_vreg.scatter [tilespmem:s0], [sflag:$0x1], $0x80, v4, vm0, $0xb8;
	[tilespmem:$0x10080] =	vst v63  }
0x2b: {  	s10 =	rddreg [dreg:$0x6];
	v3 =	vadd.s32 v1, v3  }
0x2c: {  	[hbm4b:s5+s2] =	stream.indirect_vreg.scatter [tilespmem:s10], [sflag:$0x1], $0x80, v4, vm0, $0xb8;
	[tilespmem:$0x10080] =	vst v63  }
0x2d: {  	s0 =	rddreg [dreg:$0x7]  }
0x2e: {  	[hbm4b:s6+s2] =	stream.indirect_vreg.scatter [tilespmem:s0], [sflag:$0x1], $0x80, v4, vm0, $0xb8;
	[tilespmem:$0x10080] =	vst v63  }
0x2f: {  	s10 =	rddreg [dreg:$0x8]  }
0x30: {  	[hbm4b:s3+s2] =	stream.indirect_vreg.scatter [tilespmem:s10], [sflag:$0x1], $0x80, v3, vm0, $0xb8;
	[tilespmem:$0x10080] =	vst v63  }
0x31: {  	s0 =	rddreg [dreg:$0x9]  }
0x32: {  	[hbm4b:s4+s2] =	stream.indirect_vreg.scatter [tilespmem:s0], [sflag:$0x1], $0x80, v3, vm0, $0xb8;
	[tilespmem:$0x10080] =	vst v63  }
0x33: {  	s10 =	rddreg [dreg:$0xa]  }
0x34: {  	[hbm4b:s5+s2] =	stream.indirect_vreg.scatter [tilespmem:s10], [sflag:$0x1], $0x80, v3, vm0, $0xb8;
	[tilespmem:$0x10080] =	vst v63  }
0x35: {  	s0 =	rddreg [dreg:$0xb]  }
0x36: {  	[hbm4b:s6+s2] =	stream.indirect_vreg.scatter [tilespmem:s0], [sflag:$0x1], $0x80, v3, vm0, $0xb8;
	[tilespmem:$0x10080] =	vst v63  }
0x37: {  	v3 =	vld [tilespmem:$0x10];
	_ =	sdelay $0x4  }
0x38: {  	v61 =	vshll.u32 v3, $0x3  }
0x39: {  	v3 =	vand.u32 $0x7, v3;
	v4 =	vand.u32 $0xFFFFFFC0, v61  }
0x3a: {  	v3 =	vor.u32 v3, v4  }
0x3b: {  	v4 =	vperm.xlane v3, v0;
	_ =	sdelay $0x1  }
0x3c: {  	v4 =	vadd.s32 v1, v4;
	_ =	sdelay $0x3  }
0x3d: {  	s0 =	rddreg [dreg:$0xc]  }
0x3e: {  	[hbm4b:s3+s2] =	stream.indirect_vreg.scatter [tilespmem:s0], [sflag:$0x1], $0x80, v4, vm0, $0xb8;
	[tilespmem:$0x10080] =	vst v63  }
0x3f: {  	s10 =	rddreg [dreg:$0xd];
	v3 =	vperm.xlane v3, v2  }
0x40: {  	[hbm4b:s4+s2] =	stream.indirect_vreg.scatter [tilespmem:s10], [sflag:$0x1], $0x80, v4, vm0, $0xb8;
	[tilespmem:$0x10080] =	vst v63  }
0x41: {  	v3 =	vadd.s32 v1, v3;
	s0 =	rddreg [dreg:$0xe]  }
0x42: {  	[hbm4b:s5+s2] =	stream.indirect_vreg.scatter [tilespmem:s0], [sflag:$0x1], $0x80, v4, vm0, $0xb8;
	[tilespmem:$0x10080] =	vst v63  }
0x43: {  	s10 =	simm.s32 $0x5880  }
0x44: {  	[hbm4b:s6+s2] =	stream.indirect_vreg.scatter [tilespmem:s10], [sflag:$0x1], $0x80, v4, vm0, $0xb8;
	[tilespmem:$0x10080] =	vst v63  }
0x45: {  	_ = 	snop  }
0x46: {  	[hbm4b:s3+s2] =	stream.indirect_vreg.scatter [tilespmem:s11], [sflag:$0x1], $0x80, v3, vm0, $0xb8;
	[tilespmem:$0x10080] =	vst v63  }
0x47: {  	_ = 	snop  }
0x48: {  	[hbm4b:s4+s2] =	stream.indirect_vreg.scatter [tilespmem:s12], [sflag:$0x1], $0x80, v3, vm0, $0xb8;
	[tilespmem:$0x10080] =	vst v63  }
0x49: {  	_ = 	snop  }
0x4a: {  	[hbm4b:s5+s2] =	stream.indirect_vreg.scatter [tilespmem:s13], [sflag:$0x1], $0x80, v3, vm0, $0xb8;
	[tilespmem:$0x10080] =	vst v63  }
0x4b: {  	_ = 	snop  }
0x4c: {  	[hbm4b:s6+s2] =	stream.indirect_vreg.scatter [tilespmem:s14], [sflag:$0x1], $0x80, v3, vm0, $0xb8;
	[tilespmem:$0x10080] =	vst v63  }
0x4d: {  	v3 =	vld [tilespmem:$0x20];
	_ =	sdelay $0x4  }
0x4e: {  	v62 =	vshll.u32 v3, $0x3  }
0x4f: {  	v3 =	vand.u32 $0x7, v3;
	v4 =	vand.u32 $0xFFFFFFC0, v62  }
0x50: {  	v3 =	vor.u32 v3, v4  }
0x51: {  	v4 =	vperm.xlane v3, v0;
	_ =	sdelay $0x1  }
0x52: {  	v4 =	vadd.s32 v1, v4;
	_ =	sdelay $0x4  }
0x53: {  	[hbm4b:s3+s2] =	stream.indirect_vreg.scatter [tilespmem:s15], [sflag:$0x1], $0x80, v4, vm0, $0xb8;
	[tilespmem:$0x10080] =	vst v63  }
0x54: {  	v3 =	vperm.xlane v3, v2  }
0x55: {  	[hbm4b:s4+s2] =	stream.indirect_vreg.scatter [tilespmem:s16], [sflag:$0x1], $0x80, v4, vm0, $0xb8;
	[tilespmem:$0x10080] =	vst v63  }
0x56: {  	v3 =	vadd.s32 v1, v3  }
0x57: {  	[hbm4b:s5+s2] =	stream.indirect_vreg.scatter [tilespmem:s17], [sflag:$0x1], $0x80, v4, vm0, $0xb8;
	[tilespmem:$0x10080] =	vst v63  }
0x58: {  	_ = 	snop  }
0x59: {  	[hbm4b:s6+s2] =	stream.indirect_vreg.scatter [tilespmem:s18], [sflag:$0x1], $0x80, v4, vm0, $0xb8;
	[tilespmem:$0x10080] =	vst v63  }
0x5a: {  	_ = 	snop  }
0x5b: {  	[hbm4b:s3+s2] =	stream.indirect_vreg.scatter [tilespmem:s19], [sflag:$0x1], $0x80, v3, vm0, $0xb8;
	[tilespmem:$0x10080] =	vst v63  }
0x5c: {  	_ = 	snop  }
0x5d: {  	[hbm4b:s4+s2] =	stream.indirect_vreg.scatter [tilespmem:s20], [sflag:$0x1], $0x80, v3, vm0, $0xb8;
	[tilespmem:$0x10080] =	vst v63  }
0x5e: {  	_ = 	snop  }
0x5f: {  	[hbm4b:s5+s2] =	stream.indirect_vreg.scatter [tilespmem:s21], [sflag:$0x1], $0x80, v3, vm0, $0xb8;
	[tilespmem:$0x10080] =	vst v63  }
0x60: {  	_ = 	snop  }
0x61: {  	[hbm4b:s6+s2] =	stream.indirect_vreg.scatter [tilespmem:s22], [sflag:$0x1], $0x80, v3, vm0, $0xb8;
	[tilespmem:$0x10080] =	vst v63  }
0x62: {  	v3 =	vld [tilespmem:$0x30];
	_ =	sdelay $0x4  }
0x63: {  	v63 =	vshll.u32 v3, $0x3  }
0x64: {  	v3 =	vand.u32 $0x7, v3;
	v4 =	vand.u32 $0xFFFFFFC0, v63  }
0x65: {  	v3 =	vor.u32 v3, v4  }
0x66: {  	v4 =	vperm.xlane v3, v0;
	_ =	sdelay $0x1  }
0x67: {  	v4 =	vadd.s32 v1, v4;
	_ =	sdelay $0x4  }
0x68: {  	[hbm4b:s3+s2] =	stream.indirect_vreg.scatter [tilespmem:s23], [sflag:$0x1], $0x80, v4, vm0, $0xb8;
	[tilespmem:$0x10080] =	vst v63  }
0x69: {  	v3 =	vperm.xlane v3, v2  }
0x6a: {  	[hbm4b:s4+s2] =	stream.indirect_vreg.scatter [tilespmem:s24], [sflag:$0x1], $0x80, v4, vm0, $0xb8;
	[tilespmem:$0x10080] =	vst v63  }
0x6b: {  	v3 =	vadd.s32 v1, v3  }
0x6c: {  	[hbm4b:s5+s2] =	stream.indirect_vreg.scatter [tilespmem:s25], [sflag:$0x1], $0x80, v4, vm0, $0xb8;
	[tilespmem:$0x10080] =	vst v63  }
0x6d: {  	_ = 	snop  }
0x6e: {  	[hbm4b:s6+s2] =	stream.indirect_vreg.scatter [tilespmem:s26], [sflag:$0x1], $0x80, v4, vm0, $0xb8;
	[tilespmem:$0x10080] =	vst v63  }
0x6f: {  	_ = 	snop  }
0x70: {  	[hbm4b:s3+s2] =	stream.indirect_vreg.scatter [tilespmem:s28], [sflag:$0x1], $0x80, v3, vm0, $0xb8;
	[tilespmem:$0x10080] =	vst v63  }
0x71: {  	_ = 	snop  }
0x72: {  	[hbm4b:s4+s2] =	stream.indirect_vreg.scatter [tilespmem:s29], [sflag:$0x1], $0x80, v3, vm0, $0xb8;
	[tilespmem:$0x10080] =	vst v63  }
0x73: {  	p0 =	sne.s32 s7, $0x1  }
0x74: {  	[hbm4b:s5+s2] =	stream.indirect_vreg.scatter [tilespmem:s30], [sflag:$0x1], $0x80, v3, vm0, $0xb8;
	[tilespmem:$0x10080] =	vst v63  }
.Ltmp0:
0x75: {  	_ = 	snop;
	(pc) =	sbr.rel @p0 .LBB2_1-.Ltmp0, $4  }
0x76: {  	[hbm4b:s6+s2] =	stream.indirect_vreg.scatter [tilespmem:s31], [sflag:$0x1], $0x80, v3, vm0, $0xb8;
	[tilespmem:$0x10080] =	vst v63  }
0x77: {  	_ =	swait.ge [sflag:s1], $0x10000  }
0x78: {  	[sflag:s1] =	ssyncset.done $0x0  }
0x79: {  	s7 =	sadd.s32 $0xFFFFFFFF, s7;
	[sflag:s1] =	ssyncadd.s32 $0xFFFF0000  }
0x7a: {  	_ =	sfence.sel $0x180000  }
0x7b: {  	[bflag:$0x0] =	sbarrier.arrive $0xFFFF  }
0x7c: {  	_ =	strace $0x90000047  }
0x7d: {  	s0 =	stileid.u32;
	[bflag:$0x2] =	sbarrier.arrive $0xFFFF  }
0x7e: {  	p0 =	sne.s32 s0, $0x0;
	s0 =	rddreg [dreg:$0x2]  }
0x7f: {  	s0 =	sadd.s32 @!p0 $0x100000, s0  }
0x80: {  	[sflag:s0] =	ssyncadd.tile.s32 @!p0 $0x1;
	_ =	shalt  }
.Lfunc_end2:
_tile_overlayer_lowered:
.L_overlay_start_2:
0x81: {  	(tag) =	ssettag $0x2  }
0x82: {  	s0 =	rddreg [dreg:$0x0];
	s2 =	stileid.u32  }
0x83: {  	s1 =	rddreg [dreg:$0x1];
	p0 =	sne.s32 s2, $0x0  }
0x84: {  	s3 =	rddreg [dreg:$0x2];
	[bflag:$0x3] =	sbarrier.arrive $0xFFFF;
	s2 =	simm.s32 @!p0 $0x1C02  }
0x85: {  	[timem:s3], [sflag:s2] =	dma.local @!p0 [hbm:s0], s1  }
0x86: {  	s0 =	simm.s32 @!p0 $0x2  }
0x87: {  	_ =	swait.ge @!p0 [sflag:s0], s1  }
0x88: {  	s1 =	ssub.s32 @!p0 $0x0, s1;
	[sflag:s0] =	ssyncset.done @!p0 $0x0  }
0x89: {  	[sflag:s0] =	ssyncadd.s32 @!p0 s1  }
0x8a: {  	[bflag:$0x3] =	sbarrier.arrive $0xFFFF  }
0x8b: {  	_ =	shalt  }

// kernel: kernel.8.cloned.1.call-start
scs
__scs_entry_jumppad:
0x0: {  	(pc) =	sbr.rel $0x88, $3  }
0x1: {  	(tag) =	ssettag $0x0;
	lr =	simm.s32 $0x1  }
0x2: {  	[smem:$0x3F9F] =	sst lr;
	_ =	strace $0xD0000000  }
0x3: {  	_ = 	snop  }
0x4: {  	_ = 	snop  }
0x5: {  	_ = 	snop  }
0x6: {  	_ = 	snop  }
0x7: {  	_ = 	snop  }
__scs_overlays_trampoline_lowered:
0x8: {  	[smem:$0x3FAE] =	sst s0  }
0x9: {  	[smem:$0x3FAF] =	sst s1  }
0xa: {  	[smem:$0x3FB0] =	sst s2  }
0xb: {  	[smem:$0x3FB1] =	sst s3  }
0xc: {  	[smem:$0x3FB2] =	sst s4  }
0xd: {  	[smem:$0x3FB3] =	sst s5  }
0xe: {  	[smem:$0x3FB4] =	sst s6  }
0xf: {  	[smem:$0x3FB5] =	sst s7  }
0x10: {  	[smem:$0x3FB6] =	sst s8  }
0x11: {  	[smem:$0x3FB7] =	sst s9;
	s0 =	simm.s32 @!p0 $0x0  }
0x12: {  	s1 =	sld [smem:$0x3F9D];
	s0 =	simm.s32 @p0 $0x1  }
0x13: {  	[smem:$0x3FB8] =	sst s0;
	s0 =	simm.s32 @!p1 $0x0  }
0x14: {  	s2 =	sld [smem:$0x3F9C];
	s0 =	simm.s32 @p1 $0x1  }
0x15: {  	[smem:$0x3FB9] =	sst s0;
	s0 =	simm.s32 @!p2 $0x0  }
0x16: {  	s3 =	sld [smem:$0x3FDB];
	s0 =	simm.s32 @p2 $0x1  }
0x17: {  	s4 =	simm.s32 $0x1BF5;
	[smem:$0x3FBB] =	sst s0  }
0x18: {  	s0 =	sld [smem:$0x3F9E];
	_ =	swait.ge [sflag:s4], $0x0  }
0x19: {  	s7 =	sld [smem:$0x3F9F]  }
0x1a: {  	s8 =	sadd.s32 $0xFFFFE003, lr  }
0x1b: {  	s9 =	sadd.s32 $0xFFFFFEF7, lr;
	s5 =	simm.s32 $0xFFFFFFFF;
	p2 =	slt.u32 s8, $0xFFFFF086  }
0x1c: {  	p1 =	slt.u32 s9, $0xF7A;
	s5 =	simm.s32 @!p2 $0x0  }
0x1d: {  	s5 =	simm.s32 @p1 $0x1;
	p0 =	seq.s32 s7, s2  }
0x1e: {  	s7 =	smul.u32 @!p0 $0xF7A, s2;
	p2 =	seq.s32 @!p0 s5, $0x0  }
0x1f: {  	s9 =	smul.u32 $0xF7A, s1;
	s8 =	simm.s32 @!p0 $0x1BF5;
	p2 =	por !p2, p0  }
0x20: {  	[sflag:s8] =	ssyncset.s32 @!p0 $0xFFFFF086;
	s6 =	sadd.s32 @!p0 s3, s7;
	s7 =	simm.s32 @!p0 $0x108  }
0x21: {  	s3 =	sadd.s32 s3, s9;
	s6 =	sadd.s32 @!p0 $0x88, s6;
	s7 =	simm.s32 @p2 $0x1082  }
0x22: {  	[simem:s7], [sflag:s8] =	dma.local @!p0 [hbm:s6], $0xF7A  }
0x23: {  	s9 =	sor.u32 $0xD0000000, s2;
	s6 =	simm.s32 $0x108;
	_ =	swait.ge @!p0 [sflag:s8], $0x0  }
0x24: {  	s3 =	sadd.s32 $0x88, s3;
	s6 =	simm.s32 @!p1 $0x1082;
	[sflag:s4] =	ssyncset.s32 $0xFFFFF086  }
0x25: {  	[simem:s6], [sflag:s4] =	dma.local [hbm:s3], $0xF7A  }
0x26: {  	[smem:$0x3F9F] =	sst s1;
	(tag) =	ssettag s2;
	_ =	strace s9  }
0x27: {  	s1 =	sld [smem:$0x3FAF]  }
0x28: {  	s2 =	sld [smem:$0x3FB0]  }
0x29: {  	s4 =	sld [smem:$0x3FB2]  }
0x2a: {  	p0 =	seq.s32 s5, $0x0;
	s5 =	sld [smem:$0x3FB3]  }
0x2b: {  	s6 =	sld [smem:$0x3FB4]  }
0x2c: {  	s7 =	sld [smem:$0x3FB5]  }
0x2d: {  	s3 =	simm.s32 $0x108;
	s8 =	sld [smem:$0x3FB6]  }
0x2e: {  	s3 =	simm.s32 @!p0 $0x1082;
	s9 =	sld [smem:$0x3FB7]  }
0x2f: {  	lr =	sadd.s32 s0, s3;
	s0 =	sld [smem:$0x3FAE]  }
0x30: {  	s3 =	sld [smem:$0x3FB1]  }
0x31: {  	[smem:$0x3FBA] =	sst s10  }
0x32: {  	s10 =	sld [smem:$0x3FB8];
	_ =	sdelay $0x3  }
0x33: {  	p0 =	seq.s32 s10, $0x1;
	s10 =	sld [smem:$0x3FBA];
	_ =	sdelay $0x3  }
0x34: {  	[smem:$0x3FBA] =	sst s10  }
0x35: {  	s10 =	sld [smem:$0x3FB9];
	_ =	sdelay $0x3  }
0x36: {  	p1 =	seq.s32 s10, $0x1;
	s10 =	sld [smem:$0x3FBA];
	_ =	sdelay $0x3  }
0x37: {  	[smem:$0x3FBA] =	sst s10  }
0x38: {  	s10 =	sld [smem:$0x3FBB]  }
0x39: {  	_ = 	snop;
	(pc) =	sbr.ind lr, $3  }
0x3a: {  	_ = 	snop  }
0x3b: {  	_ = 	snop  }
0x3c: {  	p2 =	seq.s32 s10, $0x1;
	s10 =	sld [smem:$0x3FBA]  }
0x3d: {  	_ =	shalt  }
0x3e: {  	_ =	shalt  }
0x3f: {  	_ =	shalt  }
0x40: {  	_ =	shalt  }
0x41: {  	_ =	shalt  }
0x42: {  	_ =	shalt  }
0x43: {  	_ =	shalt  }
0x44: {  	_ =	shalt  }
0x45: {  	_ =	shalt  }
0x46: {  	_ =	shalt  }
0x47: {  	_ =	shalt  }
0x48: {  	_ =	shalt  }
0x49: {  	_ =	shalt  }
0x4a: {  	_ =	shalt  }
0x4b: {  	_ =	shalt  }
0x4c: {  	_ =	shalt  }
0x4d: {  	_ =	shalt  }
0x4e: {  	_ =	shalt  }
0x4f: {  	_ =	shalt  }
0x50: {  	_ =	shalt  }
0x51: {  	_ =	shalt  }
0x52: {  	_ =	shalt  }
0x53: {  	_ =	shalt  }
0x54: {  	_ =	shalt  }
0x55: {  	_ =	shalt  }
0x56: {  	_ =	shalt  }
0x57: {  	_ =	shalt  }
0x58: {  	_ =	shalt  }
0x59: {  	_ =	shalt  }
0x5a: {  	_ =	shalt  }
0x5b: {  	_ =	shalt  }
0x5c: {  	_ =	shalt  }
0x5d: {  	_ =	shalt  }
0x5e: {  	_ =	shalt  }
0x5f: {  	_ =	shalt  }
0x60: {  	_ =	shalt  }
0x61: {  	_ =	shalt  }
0x62: {  	_ =	shalt  }
0x63: {  	_ =	shalt  }
0x64: {  	_ =	shalt  }
0x65: {  	_ =	shalt  }
0x66: {  	_ =	shalt  }
0x67: {  	_ =	shalt  }
0x68: {  	_ =	shalt  }
0x69: {  	_ =	shalt  }
0x6a: {  	_ =	shalt  }
0x6b: {  	_ =	shalt  }
0x6c: {  	_ =	shalt  }
0x6d: {  	_ =	shalt  }
0x6e: {  	_ =	shalt  }
0x6f: {  	_ =	shalt  }
0x70: {  	_ =	shalt  }
0x71: {  	_ =	shalt  }
0x72: {  	_ =	shalt  }
0x73: {  	_ =	shalt  }
0x74: {  	_ =	shalt  }
0x75: {  	_ =	shalt  }
0x76: {  	_ =	shalt  }
0x77: {  	_ =	shalt  }
0x78: {  	_ =	shalt  }
0x79: {  	_ =	shalt  }
0x7a: {  	_ =	shalt  }
0x7b: {  	_ =	shalt  }
0x7c: {  	_ =	shalt  }
0x7d: {  	_ =	shalt  }
0x7e: {  	_ =	shalt  }
0x7f: {  	_ =	shalt  }
0x80: {  	_ =	shalt  }
0x81: {  	_ =	shalt  }
0x82: {  	_ =	shalt  }
0x83: {  	_ =	shalt  }
0x84: {  	_ =	shalt  }
0x85: {  	_ =	shalt  }
0x86: {  	_ =	shalt  }
0x87: {  	_ =	shalt  }
.Lfunc_end0:
.L_simem_size_0:
called_computation.1_lowered:
.L_overlay_start_0:
0x88: {  	s2 =	sld [smem:$0x3FD9]  }
0x89: {  	s3 =	sld [smem:$0x3FFE];
	_ =	sdelay $0x1  }
0x8a: {  	s1 =	srdreg.scid  }
0x8b: {  	s0 =	sand.u32 $0x1, s1  }
0x8c: {  	s17 =	sshll.u32 s0, $0xA;
	s2 =	sadd.s32 s3, s2  }
0x8d: {  	s2 =	sadd.s32 s2, s17  }
0x8e: {  	[smem:$0x3FC6] =	sst s2  }
0x8f: {  	_ = 	snop  }
0x90: {  	s2 =	sld [smem:$0x3FD0];
	(tm) =	ssettm $0x1  }
0x91: {  	s18 =	sld [smem:$0x3FFB];
	_ =	sdelay $0x3  }
0x92: {  	_ =	strace s18  }
0x93: {  	s3 =	sld [smem:$0x3FFC];
	_ =	sdelay $0x3  }
0x94: {  	_ =	strace s3  }
0x95: {  	s3 =	sld [smem:$0x3FFD];
	_ =	sdelay $0x3  }
0x96: {  	_ =	strace s3  }
0x97: {  	_ =	strace $0x8FFFFFFF  }
0x98: {  	s19 =	sld [smem:$0x3FDB];
	_ =	sdelay $0x1  }
0x99: {  	s4 =	simm.s32 $_scs_section_size  }
0x9a: {  	s5 =	simm.s32 $_size__tile_overlayer_lowered;
	s6 =	simm.s32 $_tile_overlayer_lowered  }
0x9b: {  	s22 =	simm.s32 $0x1BFF;
	s21 =	sshll.u32 s6, $0x1;
	s3 =	sadd.s32 s4, s19  }
0x9c: {  	s7 =	simm.s32 $0x0;
	s20 =	sshll.u32 s5, $0x1;
	s5 =	sadd.s32 s21, s3  }
0x9d: {  	[timem:s7], [sflag:s22] =	dma.local [hbm:s5], s20  }
0x9e: {  	_ =	swait.ge [sflag:s22], s20  }
0x9f: {  	s4 =	ssub.s32 $0x0, s20;
	[sflag:s22] =	ssyncset.done $0x0  }
0xa0: {  	[sflag:s22] =	ssyncadd.s32 s4;
	_ =	sdelay $0x1  }
0xa1: {  	s23 =	simm.s32 $0x1B8B  }
0xa2: {  	_ =	swait.ge [sflag:s23], $0x1  }
0xa3: {  	[sflag:s23] =	ssyncset.done $0x0  }
0xa4: {  	s25 =	simm.s32 $0x1B8E;
	s24 =	sld [smem:$0x3FFE];
	[sflag:s23] =	ssyncadd.s32 $0xFFFFFFFF  }
0xa5: {  	s26 =	simm.s32 $execute0_lowered;
	[smem:$0x3FD2] =	sst s25  }
0xa6: {  	s5 =	sshll.u32 s26, $0x1;
	_ =	strace $0x80000049;
	[dreg:$0x1] =	wrdreg $0xFFFFFFFF  }
0xa7: {  	s28 =	simm.s32 $_size_execute0_lowered;
	s3 =	sadd.s32 s3, s5;
	[dreg:$0x0] =	wrdreg $0x0  }
0xa8: {  	s5 =	sshll.u32 s28, $0x1;
	[dreg:$0x2] =	wrdreg s3  }
0xa9: {  	[dreg:$0x3] =	wrdreg s5  }
0xaa: {  	[dreg:$0x4] =	wrdreg $0xC0  }
0xab: {  	_ =	task [dreg:s7], $0x5FFFF  }
0xac: {  	[dreg:$0x1] =	wrdreg $0xFFFFFFFF  }
0xad: {  	[dreg:$0x0] =	wrdreg $0x60  }
0xae: {  	[dreg:$0x2] =	wrdreg s24  }
0xaf: {  	[dreg:$0x3] =	wrdreg s2  }
0xb0: {  	[dreg:$0x4] =	wrdreg $0x9  }
0xb1: {  	_ =	task.clear_ibuf [dreg:s7], $0x5FFFF;
	_ =	strace $0x90000049  }
0xb2: {  	s29 =	simm.s32 $0x9;
	_ =	strace $0x8000004B  }
0xb3: {  	_ =	swait.ge [sflag:s29], $0x1  }
0xb4: {  	[sflag:s29] =	ssyncadd.s32 $0xFFFFFFFF  }
0xb5: {  	_ =	strace $0x9000004B  }
0xb6: {  	_ =	sfence  }
0xb7: {  	s30 =	sld [smem:$0x0];
	_ =	sdelay $0x2  }
0xb8: {  	s31 =	sshll.u32 s1, $0xD;
	s1 =	sshrl.u32 s1, $0x2  }
0xb9: {  	s3 =	sand.u32 $0x4000, s31;
	s1 =	sadd.s32 s1, s30  }
0xba: {  	s0 =	sor.u32 s3, s0;
	s1 =	sshll.u32 s1, $0x11  }
0xbb: {  	s0 =	sor.u32 s1, s0  }
0xbc: {  	s0 =	sadd.s32 $0x8F2B, s0  }
0xbd: {  	[sflag:s0] =	ssyncadd.remote.s32 $0x1  }
0xbe: {  	_ =	sfence.sel $0xFFFF  }
0xbf: {  	[dreg:$0x0] =	wrdreg $0xFFFFFFFF;
	(pc) =	sbr.abs _section_cstart, $3  }
0xc0: {  	[dreg:$0x1] =	wrdreg $0xFFFFFFFF  }
0xc1: {  	_ =	task.clear_ibuf [dreg:s7], $0x2FFFF;
	_ =	strace $0x9FFFFFFF  }
0xc2: {  	(tm) =	ssettm $0x7FFFFFFF  }
0xc3: {  	_ =	shalt  }
tec
execute0_lowered:
.L_overlay_start_1:
0x0: {  	(tag) =	ssettag $0x1  }
0x1: {  	s1 =	srdreg.scid  }
0x2: {  	s0 =	stileid.u32;
	s6 =	rddreg [dreg:$0x0]  }
0x3: {  	s4 =	rddreg [dreg:$0x1];
	s18 =	simm.s32 $0x880;
	s19 =	simm.s32 $0x1080  }
0x4: {  	s20 =	simm.s32 $0x1880;
	s22 =	simm.s32 $0x2080;
	s23 =	simm.s32 $0x2880  }
0x5: {  	s7 =	simm.s32 $0x3080;
	s24 =	simm.s32 $0x3880;
	s8 =	simm.s32 $0x4080  }
0x6: {  	s25 =	simm.s32 $0x4880;
	s26 =	simm.s32 $0x5080;
	s1 =	sand.u32 $0x1, s1  }
0x7: {  	s9 =	simm.s32 $0x80;
	s2 =	sshll.u32 s0, $0x7;
	s3 =	sshll.u32 s1, $0x6  }
0x8: {  	s11 =	simm.s32 $0x6080;
	s3 =	sor.u32 s3, s2;
	s2 =	simm.s32 $0x0  }
0x9: {  	s12 =	simm.s32 $0x6880;
	s13 =	simm.s32 $0x7080;
	[smem:$0x7FF] =	sst s2  }
0xa: {  	s14 =	simm.s32 $0x7880;
	_ =	strace $0x8000004A;
	[dreg:$0x5] =	wrdreg s18  }
0xb: {  	s15 =	simm.s32 $0x8080;
	s16 =	simm.s32 $0x8880;
	[dreg:$0x6] =	wrdreg s19  }
0xc: {  	s17 =	simm.s32 $0x9080;
	s28 =	simm.s32 $0xE080;
	[dreg:$0x7] =	wrdreg s20  }
0xd: {  	s29 =	simm.s32 $0xE880;
	s30 =	simm.s32 $0xF080;
	[dreg:$0x8] =	wrdreg s22  }
0xe: {  	s31 =	simm.s32 $0xF880;
	s1 =	ssub.s32 $0x2, s1;
	[dreg:$0x9] =	wrdreg s23  }
0xf: {  	s21 =	sshrl.u32 s1, $0x1;
	s5 =	sshrl.u32 s3, $0x3;
	[dreg:$0xa] =	wrdreg s7  }
0x10: {  	s3 =	sshll.u32 s3, $0x7;
	s1 =	ssub.s32 s1, s21;
	[dreg:$0xb] =	wrdreg s24  }
0x11: {  	s21 =	simm.s32 $0xB080;
	s5 =	sadd.s32 s5, s6;
	[dreg:$0xc] =	wrdreg s8  }
0x12: {  	s3 =	sadd.s32 s4, s3;
	s4 =	sadd.s32 $0x900, s6;
	[dreg:$0xd] =	wrdreg s25  }
0x13: {  	s7 =	smax.u32 s1, $0x1;
	s8 =	simm.s32 $0x2;
	[dreg:$0xe] =	wrdreg s26  }
0x14: {  	s18 =	simm.s32 $0x9880;
	s19 =	simm.s32 $0xA080;
	s20 =	simm.s32 $0xA880  }
0x15: {  	s22 =	simm.s32 $0xB880;
	s23 =	simm.s32 $0xC080;
	s24 =	simm.s32 $0xC880  }
0x16: {  	v2 =	vlaneseq.u32;
	s25 =	simm.s32 $0xD080;
	s26 =	simm.s32 $0xD880;
	s1 =	simm.s32 $0x1  }
0x17: {  	vm0 =	vmmov $0xffff;
	v1 =	vshrl.u32 v2, $0x3;
	s5 =	sadd.s32 $0x600, s5;
	[dreg:$0x4] =	wrdreg s3;
	s3 =	sadd.s32 $0x800, s6  }
0x18: {  	v0 =	vand.u32 $0x7, v2;
	v2 =	vor.u32 $0x8, v2;
	v1 =	vmul.u32 $0x8, v1;
	[dreg:$0x3] =	wrdreg s5;
	s5 =	sadd.s32 $0xA00, s6;
	s6 =	sadd.s32 $0xB00, s6  }
.LBB2_1:
0x19: {  	s0 =	rddreg [dreg:$0x3]  }
0x1a: {  	[tilespmem:s2], [sflag:$0x2] =	stream.linear.gather [hbm4b:s0+s2], $0x40, $0x38;
	[tilespmem:$0x10080] =	vst v63  }
0x1b: {  	_ =	swait.ge [sflag:s8], $0x40  }
0x1c: {  	[sflag:s8] =	ssyncset.done $0x0  }
0x1d: {  	[sflag:s8] =	ssyncadd.s32 $0xFFFFFFC0  }
0x1e: {  	v3 =	vld [tilespmem:$0x0];
	_ =	sdelay $0x4  }
0x1f: {  	v4 =	vshll.u32 v3, $0x3  }
0x20: {  	v3 =	vand.u32 $0x7, v3;
	v4 =	vand.u32 $0xFFFFFFC0, v4  }
0x21: {  	v3 =	vor.u32 v3, v4  }
0x22: {  	v4 =	vperm.xlane v3, v0;
	_ =	sdelay $0x1  }
0x23: {  	v4 =	vadd.s32 v1, v4;
	_ =	sdelay $0x4  }
0x24: {  	[tilespmem:s9], [sflag:$0x1] =	stream.indirect_vreg.gather [hbm4b:s3+s2], $0x80, v4, vm0, $0xb8;
	[tilespmem:$0x10080] =	vst v63  }
0x25: {  	s0 =	rddreg [dreg:$0x5];
	v3 =	vperm.xlane v3, v2  }
0x26: {  	[tilespmem:s0], [sflag:$0x1] =	stream.indirect_vreg.gather [hbm4b:s4+s2], $0x80, v4, vm0, $0xb8;
	[tilespmem:$0x10080] =	vst v63  }
0x27: {  	s10 =	rddreg [dreg:$0x6];
	v3 =	vadd.s32 v1, v3  }
0x28: {  	[tilespmem:s10], [sflag:$0x1] =	stream.indirect_vreg.gather [hbm4b:s5+s2], $0x80, v4, vm0, $0xb8;
	[tilespmem:$0x10080] =	vst v63  }
0x29: {  	s0 =	rddreg [dreg:$0x7]  }
0x2a: {  	[tilespmem:s0], [sflag:$0x1] =	stream.indirect_vreg.gather [hbm4b:s6+s2], $0x80, v4, vm0, $0xb8;
	[tilespmem:$0x10080] =	vst v63  }
0x2b: {  	s10 =	rddreg [dreg:$0x8]  }
0x2c: {  	[tilespmem:s10], [sflag:$0x1] =	stream.indirect_vreg.gather [hbm4b:s3+s2], $0x80, v3, vm0, $0xb8;
	[tilespmem:$0x10080] =	vst v63  }
0x2d: {  	s0 =	rddreg [dreg:$0x9]  }
0x2e: {  	[tilespmem:s0], [sflag:$0x1] =	stream.indirect_vreg.gather [hbm4b:s4+s2], $0x80, v3, vm0, $0xb8;
	[tilespmem:$0x10080] =	vst v63  }
0x2f: {  	s10 =	rddreg [dreg:$0xa]  }
0x30: {  	[tilespmem:s10], [sflag:$0x1] =	stream.indirect_vreg.gather [hbm4b:s5+s2], $0x80, v3, vm0, $0xb8;
	[tilespmem:$0x10080] =	vst v63  }
0x31: {  	s0 =	rddreg [dreg:$0xb]  }
0x32: {  	[tilespmem:s0], [sflag:$0x1] =	stream.indirect_vreg.gather [hbm4b:s6+s2], $0x80, v3, vm0, $0xb8;
	[tilespmem:$0x10080] =	vst v63  }
0x33: {  	v3 =	vld [tilespmem:$0x10];
	_ =	sdelay $0x4  }
0x34: {  	v61 =	vshll.u32 v3, $0x3  }
0x35: {  	v3 =	vand.u32 $0x7, v3;
	v4 =	vand.u32 $0xFFFFFFC0, v61  }
0x36: {  	v3 =	vor.u32 v3, v4  }
0x37: {  	v4 =	vperm.xlane v3, v0;
	_ =	sdelay $0x1  }
0x38: {  	v4 =	vadd.s32 v1, v4;
	_ =	sdelay $0x3  }
0x39: {  	s0 =	rddreg [dreg:$0xc]  }
0x3a: {  	[tilespmem:s0], [sflag:$0x1] =	stream.indirect_vreg.gather [hbm4b:s3+s2], $0x80, v4, vm0, $0xb8;
	[tilespmem:$0x10080] =	vst v63  }
0x3b: {  	s10 =	rddreg [dreg:$0xd];
	v3 =	vperm.xlane v3, v2  }
0x3c: {  	[tilespmem:s10], [sflag:$0x1] =	stream.indirect_vreg.gather [hbm4b:s4+s2], $0x80, v4, vm0, $0xb8;
	[tilespmem:$0x10080] =	vst v63  }
0x3d: {  	v3 =	vadd.s32 v1, v3;
	s0 =	rddreg [dreg:$0xe]  }
0x3e: {  	[tilespmem:s0], [sflag:$0x1] =	stream.indirect_vreg.gather [hbm4b:s5+s2], $0x80, v4, vm0, $0xb8;
	[tilespmem:$0x10080] =	vst v63  }
0x3f: {  	s10 =	simm.s32 $0x5880  }
0x40: {  	[tilespmem:s10], [sflag:$0x1] =	stream.indirect_vreg.gather [hbm4b:s6+s2], $0x80, v4, vm0, $0xb8;
	[tilespmem:$0x10080] =	vst v63  }
0x41: {  	_ = 	snop  }
0x42: {  	[tilespmem:s11], [sflag:$0x1] =	stream.indirect_vreg.gather [hbm4b:s3+s2], $0x80, v3, vm0, $0xb8;
	[tilespmem:$0x10080] =	vst v63  }
0x43: {  	_ = 	snop  }
0x44: {  	[tilespmem:s12], [sflag:$0x1] =	stream.indirect_vreg.gather [hbm4b:s4+s2], $0x80, v3, vm0, $0xb8;
	[tilespmem:$0x10080] =	vst v63  }
0x45: {  	_ = 	snop  }
0x46: {  	[tilespmem:s13], [sflag:$0x1] =	stream.indirect_vreg.gather [hbm4b:s5+s2], $0x80, v3, vm0, $0xb8;
	[tilespmem:$0x10080] =	vst v63  }
0x47: {  	_ = 	snop  }
0x48: {  	[tilespmem:s14], [sflag:$0x1] =	stream.indirect_vreg.gather [hbm4b:s6+s2], $0x80, v3, vm0, $0xb8;
	[tilespmem:$0x10080] =	vst v63  }
0x49: {  	v3 =	vld [tilespmem:$0x20];
	_ =	sdelay $0x4  }
0x4a: {  	v62 =	vshll.u32 v3, $0x3  }
0x4b: {  	v3 =	vand.u32 $0x7, v3;
	v4 =	vand.u32 $0xFFFFFFC0, v62  }
0x4c: {  	v3 =	vor.u32 v3, v4  }
0x4d: {  	v4 =	vperm.xlane v3, v0;
	_ =	sdelay $0x1  }
0x4e: {  	v4 =	vadd.s32 v1, v4;
	_ =	sdelay $0x4  }
0x4f: {  	[tilespmem:s15], [sflag:$0x1] =	stream.indirect_vreg.gather [hbm4b:s3+s2], $0x80, v4, vm0, $0xb8;
	[tilespmem:$0x10080] =	vst v63  }
0x50: {  	v3 =	vperm.xlane v3, v2  }
0x51: {  	[tilespmem:s16], [sflag:$0x1] =	stream.indirect_vreg.gather [hbm4b:s4+s2], $0x80, v4, vm0, $0xb8;
	[tilespmem:$0x10080] =	vst v63  }
0x52: {  	v3 =	vadd.s32 v1, v3  }
0x53: {  	[tilespmem:s17], [sflag:$0x1] =	stream.indirect_vreg.gather [hbm4b:s5+s2], $0x80, v4, vm0, $0xb8;
	[tilespmem:$0x10080] =	vst v63  }
0x54: {  	_ = 	snop  }
0x55: {  	[tilespmem:s18], [sflag:$0x1] =	stream.indirect_vreg.gather [hbm4b:s6+s2], $0x80, v4, vm0, $0xb8;
	[tilespmem:$0x10080] =	vst v63  }
0x56: {  	_ = 	snop  }
0x57: {  	[tilespmem:s19], [sflag:$0x1] =	stream.indirect_vreg.gather [hbm4b:s3+s2], $0x80, v3, vm0, $0xb8;
	[tilespmem:$0x10080] =	vst v63  }
0x58: {  	_ = 	snop  }
0x59: {  	[tilespmem:s20], [sflag:$0x1] =	stream.indirect_vreg.gather [hbm4b:s4+s2], $0x80, v3, vm0, $0xb8;
	[tilespmem:$0x10080] =	vst v63  }
0x5a: {  	_ = 	snop  }
0x5b: {  	[tilespmem:s21], [sflag:$0x1] =	stream.indirect_vreg.gather [hbm4b:s5+s2], $0x80, v3, vm0, $0xb8;
	[tilespmem:$0x10080] =	vst v63  }
0x5c: {  	_ = 	snop  }
0x5d: {  	[tilespmem:s22], [sflag:$0x1] =	stream.indirect_vreg.gather [hbm4b:s6+s2], $0x80, v3, vm0, $0xb8;
	[tilespmem:$0x10080] =	vst v63  }
0x5e: {  	v3 =	vld [tilespmem:$0x30];
	_ =	sdelay $0x4  }
0x5f: {  	v63 =	vshll.u32 v3, $0x3  }
0x60: {  	v3 =	vand.u32 $0x7, v3;
	v4 =	vand.u32 $0xFFFFFFC0, v63  }
0x61: {  	v3 =	vor.u32 v3, v4  }
0x62: {  	v4 =	vperm.xlane v3, v0;
	_ =	sdelay $0x1  }
0x63: {  	v4 =	vadd.s32 v1, v4;
	_ =	sdelay $0x4  }
0x64: {  	[tilespmem:s23], [sflag:$0x1] =	stream.indirect_vreg.gather [hbm4b:s3+s2], $0x80, v4, vm0, $0xb8;
	[tilespmem:$0x10080] =	vst v63  }
0x65: {  	v3 =	vperm.xlane v3, v2  }
0x66: {  	[tilespmem:s24], [sflag:$0x1] =	stream.indirect_vreg.gather [hbm4b:s4+s2], $0x80, v4, vm0, $0xb8;
	[tilespmem:$0x10080] =	vst v63  }
0x67: {  	v3 =	vadd.s32 v1, v3  }
0x68: {  	[tilespmem:s25], [sflag:$0x1] =	stream.indirect_vreg.gather [hbm4b:s5+s2], $0x80, v4, vm0, $0xb8;
	[tilespmem:$0x10080] =	vst v63  }
0x69: {  	_ = 	snop  }
0x6a: {  	[tilespmem:s26], [sflag:$0x1] =	stream.indirect_vreg.gather [hbm4b:s6+s2], $0x80, v4, vm0, $0xb8;
	[tilespmem:$0x10080] =	vst v63  }
0x6b: {  	_ = 	snop  }
0x6c: {  	[tilespmem:s28], [sflag:$0x1] =	stream.indirect_vreg.gather [hbm4b:s3+s2], $0x80, v3, vm0, $0xb8;
	[tilespmem:$0x10080] =	vst v63  }
0x6d: {  	_ = 	snop  }
0x6e: {  	[tilespmem:s29], [sflag:$0x1] =	stream.indirect_vreg.gather [hbm4b:s4+s2], $0x80, v3, vm0, $0xb8;
	[tilespmem:$0x10080] =	vst v63  }
0x6f: {  	_ = 	snop  }
0x70: {  	[tilespmem:s30], [sflag:$0x1] =	stream.indirect_vreg.gather [hbm4b:s5+s2], $0x80, v3, vm0, $0xb8;
	[tilespmem:$0x10080] =	vst v63  }
0x71: {  	_ = 	snop  }
0x72: {  	[tilespmem:s31], [sflag:$0x1] =	stream.indirect_vreg.gather [hbm4b:s6+s2], $0x80, v3, vm0, $0xb8;
	[tilespmem:$0x10080] =	vst v63  }
0x73: {  	_ =	swait.ge [sflag:s1], $0x10000  }
0x74: {  	p0 =	sne.s32 s7, $0x1;
	[sflag:s1] =	ssyncset.done $0x0  }
.Ltmp0:
0x75: {  	s10 =	rddreg [dreg:$0x4];
	[sflag:s1] =	ssyncadd.s32 $0xFFFF0000;
	(pc) =	sbr.rel @p0 .LBB2_1-.Ltmp0, $4  }
0x76: {  	[hbm4b:s10+s2] =	stream.linear.scatter [tilespmem:s9], [sflag:$0x2], $0x10000, $0x38;
	[tilespmem:$0x10080] =	vst v63  }
0x77: {  	_ =	swait.ge [sflag:s8], $0x10000  }
0x78: {  	[sflag:s8] =	ssyncset.done $0x0  }
0x79: {  	s7 =	sadd.s32 $0xFFFFFFFF, s7;
	[sflag:s8] =	ssyncadd.s32 $0xFFFF0000  }
0x7a: {  	_ =	sfence.sel $0x180000  }
0x7b: {  	[bflag:$0x0] =	sbarrier.arrive $0xFFFF  }
0x7c: {  	_ =	strace $0x9000004A  }
0x7d: {  	s0 =	stileid.u32;
	[bflag:$0x2] =	sbarrier.arrive $0xFFFF  }
0x7e: {  	p0 =	sne.s32 s0, $0x0;
	s0 =	rddreg [dreg:$0x2]  }
0x7f: {  	s0 =	sadd.s32 @!p0 $0x100000, s0  }
0x80: {  	[sflag:s0] =	ssyncadd.tile.s32 @!p0 $0x1;
	_ =	shalt  }
.Lfunc_end2:
_tile_overlayer_lowered:
.L_overlay_start_2:
0x81: {  	(tag) =	ssettag $0x2  }
0x82: {  	s0 =	rddreg [dreg:$0x0];
	s2 =	stileid.u32  }
0x83: {  	s1 =	rddreg [dreg:$0x1];
	p0 =	sne.s32 s2, $0x0  }
0x84: {  	s3 =	rddreg [dreg:$0x2];
	[bflag:$0x3] =	sbarrier.arrive $0xFFFF;
	s2 =	simm.s32 @!p0 $0x1C02  }
0x85: {  	[timem:s3], [sflag:s2] =	dma.local @!p0 [hbm:s0], s1  }
0x86: {  	s0 =	simm.s32 @!p0 $0x2  }
0x87: {  	_ =	swait.ge @!p0 [sflag:s0], s1  }
0x88: {  	s1 =	ssub.s32 @!p0 $0x0, s1;
	[sflag:s0] =	ssyncset.done @!p0 $0x0  }
0x89: {  	[sflag:s0] =	ssyncadd.s32 @!p0 s1  }
0x8a: {  	[bflag:$0x3] =	sbarrier.arrive $0xFFFF  }
0x8b: {  	_ =	shalt  }

</sc_bundles>
